<compile_context>
chip_gen: v7x
topology: tpu7x:2x2x1
jax: 0.10.2.dev20260603
libtpu: 0.0.44.dev20260713+nightly
codegen_flags: <defaults>
</compile_context>

<pallas_src>
import functools

import jax
import jax.numpy as jnp
from jax import lax
from jax.experimental import pallas as pl
from jax.experimental.pallas import tpu as pltpu
from jax.experimental.pallas import tpu_sc as plsc

N_CLASSES = 1000
CTX_LEN = 77
DIM = 512
PAD_CTX = 80
SPLIT = 72
TROWS = PAD_CTX - SPLIT

NW = 32
MAIN = N_CLASSES // NW
EXTRA = N_CLASSES - NW * MAIN
NBUF = 3
ROUNDS = 30 // NBUF

_mesh = plsc.VectorSubcoreMesh(core_axis_name="c", subcore_axis_name="s")


@functools.partial(
    pl.kernel,
    mesh=_mesh,
    out_type=(
        jax.ShapeDtypeStruct((N_CLASSES, CTX_LEN, DIM), jnp.float32),
        jax.ShapeDtypeStruct((N_CLASSES * TROWS, DIM), jnp.float32),
    ),
    scratch_types=[
        pltpu.VMEM(((MAIN + 1) * PAD_CTX,), jnp.int32),
        pltpu.VMEM((NBUF, PAD_CTX, DIM), jnp.float32),
        pltpu.SemaphoreType.DMA,
        pltpu.SemaphoreType.DMA,
        pltpu.SemaphoreType.DMA,
    ],
)
def _gather_kernel(idx_hbm, table_hbm, out_hbm, tails_hbm, idx_v, rows_v,
                   sem0, sem1, sem2):
    wid = lax.axis_index("s") * 2 + lax.axis_index("c")
    sems = (sem0, sem1, sem2)
    n0 = wid * MAIN + lax.min(wid, EXTRA)
    has_extra = wid < EXTRA

    pltpu.sync_copy(idx_hbm.at[pl.ds(n0 * PAD_CTX, MAIN * PAD_CTX)],
                    idx_v.at[pl.ds(0, MAIN * PAD_CTX)])

    @pl.when(has_extra)
    def _():
        pltpu.sync_copy(idx_hbm.at[pl.ds((n0 + MAIN) * PAD_CTX, PAD_CTX)],
                        idx_v.at[pl.ds(MAIN * PAD_CTX, PAD_CTX)])

    def gather(j, b):
        pltpu.async_copy(table_hbm.at[idx_v.at[pl.ds(j * PAD_CTX, PAD_CTX)]],
                         rows_v.at[b], sems[b])

    def wait(b):
        pltpu.make_async_copy(table_hbm.at[pl.ds(0, PAD_CTX)], rows_v.at[b], sems[b]).wait()

    def store(j, b):
        n = n0 + j
        pltpu.async_copy(rows_v.at[b].at[pl.ds(0, SPLIT)],
                         out_hbm.at[n].at[pl.ds(0, SPLIT)], sems[b])
        pltpu.async_copy(rows_v.at[b].at[pl.ds(SPLIT, TROWS)],
                         tails_hbm.at[pl.ds(n * TROWS, TROWS)], sems[b])

    def round_body(i, carry):
        g = i * NBUF
        for b in range(NBUF):
            @pl.when(i > 0)
            def _():
                wait(b)
            gather(g + b, b)
        for b in range(NBUF):
            wait(b)
            store(g + b, b)
        return carry

    lax.fori_loop(0, ROUNDS, round_body, 0)

    wait(0)
    gather(30, 0)
    wait(0)
    store(30, 0)

    @pl.when(has_extra)
    def _():
        wait(1)
        gather(31, 1)
        wait(1)
        store(31, 1)

    for b in range(NBUF):
        wait(b)


CPB = 125


def _patch_body(main_ref, tails_ref, out_ref):
    del main_ref
    out_ref[...] = tails_ref[...].reshape(CPB, TROWS, DIM)


_patch = pl.pallas_call(
    _patch_body,
    grid=(N_CLASSES // CPB,),
    in_specs=[
        pl.BlockSpec(memory_space=pltpu.MemorySpace.HBM),
        pl.BlockSpec((CPB * TROWS, DIM), lambda m: (m, 0)),
    ],
    out_specs=pl.BlockSpec((CPB, TROWS, DIM), lambda m: (m, SPLIT // TROWS, 0)),
    out_shape=jax.ShapeDtypeStruct((N_CLASSES, CTX_LEN, DIM), jnp.float32),
    input_output_aliases={0: 0},
)


def kernel(tokenized_prompts, token_embedding):
    idx_pad = jnp.concatenate(
        [tokenized_prompts, tokenized_prompts[:, : PAD_CTX - CTX_LEN]], axis=1
    ).reshape(-1)
    out, tails = _gather_kernel(idx_pad, token_embedding)
    return _patch(out, tails)

# --- scband reference (transcript-rebuilt; emitter-appended) ---
"""Pipeline reference for scband-text-prompt-learner-59992103190970 (READ-ONLY COPY).

The authoritative reference and input builder live on the scoring server;
editing this copy changes nothing except your own understanding.
"""

import jax, jax.numpy as jnp
import numpy as np

N_CLASSES = 1000
CTX_LEN = 77
VOCAB = 49408
DIM = 512


def setup_inputs(seed: int = 0) -> dict:
    key = jax.random.key(seed)
    k1, k2 = jax.random.split(key)
    tokenized_prompts = jax.random.randint(k1, (N_CLASSES, CTX_LEN), 0, VOCAB, dtype=jnp.int32)
    token_embedding = jax.random.normal(k2, (VOCAB, DIM), dtype=jnp.float32) * 0.02
    return {"tokenized_prompts": tokenized_prompts, "token_embedding": token_embedding}


def reference(tokenized_prompts, token_embedding):
    # Faithful translation of the module's construction + forward:
    # embedding = clip_model.token_embedding(tokenized_prompts)  -> row gather
    # forward() returns the [n_cls, ctx_len, dim] prompt embeddings.
    prompts = jnp.take(token_embedding, tokenized_prompts, axis=0)
    return prompts

if __name__ == "__main__":
    import jax
    _d = setup_inputs()
    print(jax.jit(kernel)(*tuple(_d.values())))

</pallas_src>

<mosaic_0001>
#map = affine_map<(d0, d1) -> (0)>
#map1 = affine_map<(d0, d1) -> (0, 0)>
#map2 = affine_map<(d0, d1) -> (0, 0, 0)>
module attributes {stable_mosaic.version = 14 : i64} {
  func.func @_gather_kernel(%arg0: i32, %arg1: i32, %arg2: memref<80000xi32, #tpu.memory_space<hbm>>, %arg3: memref<49408x512xf32, #tpu.memory_space<hbm>>, %arg4: memref<1000x77x512xf32, #tpu.memory_space<hbm>>, %arg5: memref<8000x512xf32, #tpu.memory_space<hbm>>, %arg6: memref<2560xi32, #tpu.memory_space<vmem>>, %arg7: memref<3x80x512xf32, #tpu.memory_space<vmem>>, %arg8: memref<!tpu.dma_semaphore, #tpu.memory_space<semaphore_mem>>, %arg9: memref<!tpu.dma_semaphore, #tpu.memory_space<semaphore_mem>>, %arg10: memref<!tpu.dma_semaphore, #tpu.memory_space<semaphore_mem>>) attributes {dimension_semantics = [#tpu.dimension_semantics<core_parallel>, #tpu.dimension_semantics<subcore_parallel>], iteration_bounds = array<i64: 2, 16>, scalar_prefetch = 0 : i64, scratch_operands = 5 : i64, tpu.core_type = #tpu.core_type<sc_vector_subcore>, window_params = [{transform_indices = #map}, {transform_indices = #map1}, {transform_indices = #map2}, {transform_indices = #map1}]} {
    %mul3A = arith.constant 2 : i32
    %mul3A_0 = arith.muli %arg1, %mul3A : i32
    %add3A = arith.addi %mul3A_0, %arg0 : i32
    %mul3A_1 = arith.constant 31 : i32
    %mul3A_2 = arith.muli %add3A, %mul3A_1 : i32
    %min3A = arith.constant 8 : i32
    %min3A_3 = arith.minsi %add3A, %min3A : i32
    %add3A_4 = arith.addi %mul3A_2, %min3A_3 : i32
    %lt3A = arith.constant 8 : i32
    %lt3A_5 = arith.cmpi slt, %add3A, %lt3A : i32
    %mul3A_6 = arith.constant 80 : i32
    %mul3A_7 = arith.muli %add3A_4, %mul3A_6 : i32
    "tpu.region"() ({
      %run_scoped3A = tpu.sem_alloc : memref<!tpu.dma_semaphore, #tpu.memory_space<semaphore_mem>>
      %dma_start3A_152 = arith.constant 0 : i32
      %dma_start3A_153 = tpu.memref_slice %arg6[%dma_start3A_152] : memref<2560xi32, #tpu.memory_space<vmem>> -> memref<2480xi32, #tpu.memory_space<vmem>>
      %dma_start3A_154 = tpu.memref_slice %arg2[%mul3A_7] : memref<80000xi32, #tpu.memory_space<hbm>> -> memref<2480xi32, #tpu.memory_space<hbm>>
      %dma_start3A_155 = arith.constant 0 : i32
      %dma_start3A_156 = tpu.memref_slice %arg6[%dma_start3A_155] : memref<2560xi32, #tpu.memory_space<vmem>> -> memref<2480xi32, #tpu.memory_space<vmem>>
      %dma_start3A_157 = tpu.memref_slice %arg2[%mul3A_7] : memref<80000xi32, #tpu.memory_space<hbm>> -> memref<2480xi32, #tpu.memory_space<hbm>>
      tpu.enqueue_dma source(%dma_start3A_157 : memref<2480xi32, #tpu.memory_space<hbm>>) target(%dma_start3A_156 : memref<2480xi32, #tpu.memory_space<vmem>>) target_semaphore(%run_scoped3A : memref<!tpu.dma_semaphore, #tpu.memory_space<semaphore_mem>>)
      %dma_wait3A_158 = arith.constant 0 : i32
      %dma_wait3A_159 = tpu.memref_slice %arg6[%dma_wait3A_158] : memref<2560xi32, #tpu.memory_space<vmem>> -> memref<2480xi32, #tpu.memory_space<vmem>>
      %dma_wait3A_160 = tpu.memref_slice %arg2[%mul3A_7] : memref<80000xi32, #tpu.memory_space<hbm>> -> memref<2480xi32, #tpu.memory_space<hbm>>
      %dma_wait3A_161 = arith.constant 0 : i32
      %dma_wait3A_162 = tpu.memref_slice %arg6[%dma_wait3A_161] : memref<2560xi32, #tpu.memory_space<vmem>> -> memref<2480xi32, #tpu.memory_space<vmem>>
      %dma_wait3A_163 = tpu.memref_slice %arg2[%mul3A_7] : memref<80000xi32, #tpu.memory_space<hbm>> -> memref<2480xi32, #tpu.memory_space<hbm>>
      tpu.wait_dma2 semaphore(%run_scoped3A : memref<!tpu.dma_semaphore, #tpu.memory_space<semaphore_mem>>) src(%dma_wait3A_163 : memref<2480xi32, #tpu.memory_space<hbm>>) dst(%dma_wait3A_162 : memref<2480xi32, #tpu.memory_space<vmem>>)
      tpu.yield
    }) : () -> ()
    %convert_element_type3A = arith.extui %lt3A_5 : i1 to i32
    %cond3A = arith.constant 0 : i32
    %cond3A_8 = arith.cmpi ne, %convert_element_type3A, %cond3A : i32
    scf.if %cond3A_8 {
      %add3A_152 = arith.constant 31 : i32
      %add3A_153 = arith.addi %add3A_4, %add3A_152 : i32
      %mul3A_154 = arith.constant 80 : i32
      %mul3A_155 = arith.muli %add3A_153, %mul3A_154 : i32
      "tpu.region"() ({
        %run_scoped3A = tpu.sem_alloc : memref<!tpu.dma_semaphore, #tpu.memory_space<semaphore_mem>>
        %dma_start3A_156 = arith.constant 2480 : i32
        %dma_start3A_157 = tpu.memref_slice %arg6[%dma_start3A_156] : memref<2560xi32, #tpu.memory_space<vmem>> -> memref<80xi32, #tpu.memory_space<vmem>>
        %dma_start3A_158 = tpu.memref_slice %arg2[%mul3A_155] : memref<80000xi32, #tpu.memory_space<hbm>> -> memref<80xi32, #tpu.memory_space<hbm>>
        %dma_start3A_159 = arith.constant 2480 : i32
        %dma_start3A_160 = tpu.memref_slice %arg6[%dma_start3A_159] : memref<2560xi32, #tpu.memory_space<vmem>> -> memref<80xi32, #tpu.memory_space<vmem>>
        %dma_start3A_161 = tpu.memref_slice %arg2[%mul3A_155] : memref<80000xi32, #tpu.memory_space<hbm>> -> memref<80xi32, #tpu.memory_space<hbm>>
        tpu.enqueue_dma source(%dma_start3A_161 : memref<80xi32, #tpu.memory_space<hbm>>) target(%dma_start3A_160 : memref<80xi32, #tpu.memory_space<vmem>>) target_semaphore(%run_scoped3A : memref<!tpu.dma_semaphore, #tpu.memory_space<semaphore_mem>>)
        %dma_wait3A_162 = arith.constant 2480 : i32
        %dma_wait3A_163 = tpu.memref_slice %arg6[%dma_wait3A_162] : memref<2560xi32, #tpu.memory_space<vmem>> -> memref<80xi32, #tpu.memory_space<vmem>>
        %dma_wait3A_164 = tpu.memref_slice %arg2[%mul3A_155] : memref<80000xi32, #tpu.memory_space<hbm>> -> memref<80xi32, #tpu.memory_space<hbm>>
        %dma_wait3A_165 = arith.constant 2480 : i32
        %dma_wait3A_166 = tpu.memref_slice %arg6[%dma_wait3A_165] : memref<2560xi32, #tpu.memory_space<vmem>> -> memref<80xi32, #tpu.memory_space<vmem>>
        %dma_wait3A_167 = tpu.memref_slice %arg2[%mul3A_155] : memref<80000xi32, #tpu.memory_space<hbm>> -> memref<80xi32, #tpu.memory_space<hbm>>
        tpu.wait_dma2 semaphore(%run_scoped3A : memref<!tpu.dma_semaphore, #tpu.memory_space<semaphore_mem>>) src(%dma_wait3A_167 : memref<80xi32, #tpu.memory_space<hbm>>) dst(%dma_wait3A_166 : memref<80xi32, #tpu.memory_space<vmem>>)
        tpu.yield
      }) : () -> ()
    } else {
    }
    %scan3A = arith.constant 0 : i32
    %scan3A_9 = arith.constant 0 : i32
    %scan3A_10 = arith.constant 10 : i32
    %scan3A_11 = arith.addi %scan3A_9, %scan3A_10 : i32
    %scan3A_12 = arith.constant 1 : i32
    scf.for %scan3A_152 = %scan3A_9 to %scan3A_11 step %scan3A_12  : i32 {
      %mul3A_153 = arith.constant 3 : i32
      %mul3A_154 = arith.muli %scan3A_152, %mul3A_153 : i32
      %gt3A = arith.constant 0 : i32
      %gt3A_155 = arith.cmpi sgt, %scan3A_152, %gt3A : i32
      %convert_element_type3A_156 = arith.extui %gt3A_155 : i1 to i32
      %cond3A_157 = arith.constant 0 : i32
      %cond3A_158 = arith.cmpi ne, %convert_element_type3A_156, %cond3A_157 : i32
      scf.if %cond3A_158 {
        %dma_wait3A_412 = arith.constant 0 : i32
        %dma_wait3A_413 = arith.constant 0 : i32
        %dma_wait3A_414 = arith.constant 0 : i32
        %dma_wait3A_415 = tpu.memref_slice %arg7[%dma_wait3A_412, %dma_wait3A_413, %dma_wait3A_414] : memref<3x80x512xf32, #tpu.memory_space<vmem>> -> memref<1x80x512xf32, #tpu.memory_space<vmem>>
        %dma_wait3A_416 = tpu.memref_squeeze %dma_wait3A_415 : memref<1x80x512xf32, #tpu.memory_space<vmem>> -> memref<80x512xf32, #tpu.memory_space<vmem>>
        %dma_wait3A_417 = arith.constant 0 : i32
        %dma_wait3A_418 = arith.constant 0 : i32
        %dma_wait3A_419 = tpu.memref_slice %arg3[%dma_wait3A_417, %dma_wait3A_418] : memref<49408x512xf32, #tpu.memory_space<hbm>> -> memref<80x512xf32, #tpu.memory_space<hbm>>
        %dma_wait3A_420 = arith.constant 0 : i32
        %dma_wait3A_421 = arith.constant 0 : i32
        %dma_wait3A_422 = tpu.memref_slice %arg7[%dma_wait3A_412, %dma_wait3A_420, %dma_wait3A_421] : memref<3x80x512xf32, #tpu.memory_space<vmem>> -> memref<1x80x512xf32, #tpu.memory_space<vmem>>
        %dma_wait3A_423 = tpu.memref_squeeze %dma_wait3A_422 : memref<1x80x512xf32, #tpu.memory_space<vmem>> -> memref<80x512xf32, #tpu.memory_space<vmem>>
        %dma_wait3A_424 = arith.constant 0 : i32
        %dma_wait3A_425 = arith.constant 0 : i32
        %dma_wait3A_426 = tpu.memref_slice %arg3[%dma_wait3A_424, %dma_wait3A_425] : memref<49408x512xf32, #tpu.memory_space<hbm>> -> memref<80x512xf32, #tpu.memory_space<hbm>>
        tpu.wait_dma2 semaphore(%arg8 : memref<!tpu.dma_semaphore, #tpu.memory_space<semaphore_mem>>) src(%dma_wait3A_426 : memref<80x512xf32, #tpu.memory_space<hbm>>) dst(%dma_wait3A_423 : memref<80x512xf32, #tpu.memory_space<vmem>>)
      } else {
      }
      %add3A_159 = arith.constant 0 : i32
      %add3A_160 = arith.addi %mul3A_154, %add3A_159 : i32
      %mul3A_161 = arith.constant 80 : i32
      %mul3A_162 = arith.muli %add3A_160, %mul3A_161 : i32
      %dma_start3A_163 = arith.constant 0 : i32
      %dma_start3A_164 = arith.constant 0 : i32
      %dma_start3A_165 = arith.constant 0 : i32
      %dma_start3A_166 = tpu.memref_slice %arg7[%dma_start3A_163, %dma_start3A_164, %dma_start3A_165] : memref<3x80x512xf32, #tpu.memory_space<vmem>> -> memref<1x80x512xf32, #tpu.memory_space<vmem>>
      %dma_start3A_167 = tpu.memref_squeeze %dma_start3A_166 : memref<1x80x512xf32, #tpu.memory_space<vmem>> -> memref<80x512xf32, #tpu.memory_space<vmem>>
      %dma_start3A_168 = tpu.memref_slice %arg6[%mul3A_162] : memref<2560xi32, #tpu.memory_space<vmem>> -> memref<80xi32, #tpu.memory_space<vmem>>
      %dma_start3A_169 = arith.constant 0 : i32
      %dma_start3A_170 = arith.constant 0 : i32
      %dma_start3A_171 = tpu.memref_slice %arg3[%dma_start3A_169, %dma_start3A_170] : memref<49408x512xf32, #tpu.memory_space<hbm>> -> memref<49408x512xf32, #tpu.memory_space<hbm>>
      tpu.enqueue_indirect_dma source(%dma_start3A_171 : memref<49408x512xf32, #tpu.memory_space<hbm>>) target(%dma_start3A_167 : memref<80x512xf32, #tpu.memory_space<vmem>>) offsets(%dma_start3A_168 : memref<80xi32, #tpu.memory_space<vmem>>) semaphore(%arg8 : memref<!tpu.dma_semaphore, #tpu.memory_space<semaphore_mem>>)
      %gt3A_172 = arith.constant 0 : i32
      %gt3A_173 = arith.cmpi sgt, %scan3A_152, %gt3A_172 : i32
      %convert_element_type3A_174 = arith.extui %gt3A_173 : i1 to i32
      %cond3A_175 = arith.constant 0 : i32
      %cond3A_176 = arith.cmpi ne, %convert_element_type3A_174, %cond3A_175 : i32
      scf.if %cond3A_176 {
        %dma_wait3A_412 = arith.constant 1 : i32
        %dma_wait3A_413 = arith.constant 0 : i32
        %dma_wait3A_414 = arith.constant 0 : i32
        %dma_wait3A_415 = tpu.memref_slice %arg7[%dma_wait3A_412, %dma_wait3A_413, %dma_wait3A_414] : memref<3x80x512xf32, #tpu.memory_space<vmem>> -> memref<1x80x512xf32, #tpu.memory_space<vmem>>
        %dma_wait3A_416 = tpu.memref_squeeze %dma_wait3A_415 : memref<1x80x512xf32, #tpu.memory_space<vmem>> -> memref<80x512xf32, #tpu.memory_space<vmem>>
        %dma_wait3A_417 = arith.constant 0 : i32
        %dma_wait3A_418 = arith.constant 0 : i32
        %dma_wait3A_419 = tpu.memref_slice %arg3[%dma_wait3A_417, %dma_wait3A_418] : memref<49408x512xf32, #tpu.memory_space<hbm>> -> memref<80x512xf32, #tpu.memory_space<hbm>>
        %dma_wait3A_420 = arith.constant 0 : i32
        %dma_wait3A_421 = arith.constant 0 : i32
        %dma_wait3A_422 = tpu.memref_slice %arg7[%dma_wait3A_412, %dma_wait3A_420, %dma_wait3A_421] : memref<3x80x512xf32, #tpu.memory_space<vmem>> -> memref<1x80x512xf32, #tpu.memory_space<vmem>>
        %dma_wait3A_423 = tpu.memref_squeeze %dma_wait3A_422 : memref<1x80x512xf32, #tpu.memory_space<vmem>> -> memref<80x512xf32, #tpu.memory_space<vmem>>
        %dma_wait3A_424 = arith.constant 0 : i32
        %dma_wait3A_425 = arith.constant 0 : i32
        %dma_wait3A_426 = tpu.memref_slice %arg3[%dma_wait3A_424, %dma_wait3A_425] : memref<49408x512xf32, #tpu.memory_space<hbm>> -> memref<80x512xf32, #tpu.memory_space<hbm>>
        tpu.wait_dma2 semaphore(%arg9 : memref<!tpu.dma_semaphore, #tpu.memory_space<semaphore_mem>>) src(%dma_wait3A_426 : memref<80x512xf32, #tpu.memory_space<hbm>>) dst(%dma_wait3A_423 : memref<80x512xf32, #tpu.memory_space<vmem>>)
      } else {
      }
      %add3A_177 = arith.constant 1 : i32
      %add3A_178 = arith.addi %mul3A_154, %add3A_177 : i32
      %mul3A_179 = arith.constant 80 : i32
      %mul3A_180 = arith.muli %add3A_178, %mul3A_179 : i32
      %dma_start3A_181 = arith.constant 1 : i32
      %dma_start3A_182 = arith.constant 0 : i32
      %dma_start3A_183 = arith.constant 0 : i32
      %dma_start3A_184 = tpu.memref_slice %arg7[%dma_start3A_181, %dma_start3A_182, %dma_start3A_183] : memref<3x80x512xf32, #tpu.memory_space<vmem>> -> memref<1x80x512xf32, #tpu.memory_space<vmem>>
      %dma_start3A_185 = tpu.memref_squeeze %dma_start3A_184 : memref<1x80x512xf32, #tpu.memory_space<vmem>> -> memref<80x512xf32, #tpu.memory_space<vmem>>
      %dma_start3A_186 = tpu.memref_slice %arg6[%mul3A_180] : memref<2560xi32, #tpu.memory_space<vmem>> -> memref<80xi32, #tpu.memory_space<vmem>>
      %dma_start3A_187 = arith.constant 0 : i32
      %dma_start3A_188 = arith.constant 0 : i32
      %dma_start3A_189 = tpu.memref_slice %arg3[%dma_start3A_187, %dma_start3A_188] : memref<49408x512xf32, #tpu.memory_space<hbm>> -> memref<49408x512xf32, #tpu.memory_space<hbm>>
      tpu.enqueue_indirect_dma source(%dma_start3A_189 : memref<49408x512xf32, #tpu.memory_space<hbm>>) target(%dma_start3A_185 : memref<80x512xf32, #tpu.memory_space<vmem>>) offsets(%dma_start3A_186 : memref<80xi32, #tpu.memory_space<vmem>>) semaphore(%arg9 : memref<!tpu.dma_semaphore, #tpu.memory_space<semaphore_mem>>)
      %gt3A_190 = arith.constant 0 : i32
      %gt3A_191 = arith.cmpi sgt, %scan3A_152, %gt3A_190 : i32
      %convert_element_type3A_192 = arith.extui %gt3A_191 : i1 to i32
      %cond3A_193 = arith.constant 0 : i32
      %cond3A_194 = arith.cmpi ne, %convert_element_type3A_192, %cond3A_193 : i32
      scf.if %cond3A_194 {
        %dma_wait3A_412 = arith.constant 2 : i32
        %dma_wait3A_413 = arith.constant 0 : i32
        %dma_wait3A_414 = arith.constant 0 : i32
        %dma_wait3A_415 = tpu.memref_slice %arg7[%dma_wait3A_412, %dma_wait3A_413, %dma_wait3A_414] : memref<3x80x512xf32, #tpu.memory_space<vmem>> -> memref<1x80x512xf32, #tpu.memory_space<vmem>>
        %dma_wait3A_416 = tpu.memref_squeeze %dma_wait3A_415 : memref<1x80x512xf32, #tpu.memory_space<vmem>> -> memref<80x512xf32, #tpu.memory_space<vmem>>
        %dma_wait3A_417 = arith.constant 0 : i32
        %dma_wait3A_418 = arith.constant 0 : i32
        %dma_wait3A_419 = tpu.memref_slice %arg3[%dma_wait3A_417, %dma_wait3A_418] : memref<49408x512xf32, #tpu.memory_space<hbm>> -> memref<80x512xf32, #tpu.memory_space<hbm>>
        %dma_wait3A_420 = arith.constant 0 : i32
        %dma_wait3A_421 = arith.constant 0 : i32
        %dma_wait3A_422 = tpu.memref_slice %arg7[%dma_wait3A_412, %dma_wait3A_420, %dma_wait3A_421] : memref<3x80x512xf32, #tpu.memory_space<vmem>> -> memref<1x80x512xf32, #tpu.memory_space<vmem>>
        %dma_wait3A_423 = tpu.memref_squeeze %dma_wait3A_422 : memref<1x80x512xf32, #tpu.memory_space<vmem>> -> memref<80x512xf32, #tpu.memory_space<vmem>>
        %dma_wait3A_424 = arith.constant 0 : i32
        %dma_wait3A_425 = arith.constant 0 : i32
        %dma_wait3A_426 = tpu.memref_slice %arg3[%dma_wait3A_424, %dma_wait3A_425] : memref<49408x512xf32, #tpu.memory_space<hbm>> -> memref<80x512xf32, #tpu.memory_space<hbm>>
        tpu.wait_dma2 semaphore(%arg10 : memref<!tpu.dma_semaphore, #tpu.memory_space<semaphore_mem>>) src(%dma_wait3A_426 : memref<80x512xf32, #tpu.memory_space<hbm>>) dst(%dma_wait3A_423 : memref<80x512xf32, #tpu.memory_space<vmem>>)
      } else {
      }
      %add3A_195 = arith.constant 2 : i32
      %add3A_196 = arith.addi %mul3A_154, %add3A_195 : i32
      %mul3A_197 = arith.constant 80 : i32
      %mul3A_198 = arith.muli %add3A_196, %mul3A_197 : i32
      %dma_start3A_199 = arith.constant 2 : i32
      %dma_start3A_200 = arith.constant 0 : i32
      %dma_start3A_201 = arith.constant 0 : i32
      %dma_start3A_202 = tpu.memref_slice %arg7[%dma_start3A_199, %dma_start3A_200, %dma_start3A_201] : memref<3x80x512xf32, #tpu.memory_space<vmem>> -> memref<1x80x512xf32, #tpu.memory_space<vmem>>
      %dma_start3A_203 = tpu.memref_squeeze %dma_start3A_202 : memref<1x80x512xf32, #tpu.memory_space<vmem>> -> memref<80x512xf32, #tpu.memory_space<vmem>>
      %dma_start3A_204 = tpu.memref_slice %arg6[%mul3A_198] : memref<2560xi32, #tpu.memory_space<vmem>> -> memref<80xi32, #tpu.memory_space<vmem>>
      %dma_start3A_205 = arith.constant 0 : i32
      %dma_start3A_206 = arith.constant 0 : i32
      %dma_start3A_207 = tpu.memref_slice %arg3[%dma_start3A_205, %dma_start3A_206] : memref<49408x512xf32, #tpu.memory_space<hbm>> -> memref<49408x512xf32, #tpu.memory_space<hbm>>
      tpu.enqueue_indirect_dma source(%dma_start3A_207 : memref<49408x512xf32, #tpu.memory_space<hbm>>) target(%dma_start3A_203 : memref<80x512xf32, #tpu.memory_space<vmem>>) offsets(%dma_start3A_204 : memref<80xi32, #tpu.memory_space<vmem>>) semaphore(%arg10 : memref<!tpu.dma_semaphore, #tpu.memory_space<semaphore_mem>>)
      %dma_wait3A_208 = arith.constant 0 : i32
      %dma_wait3A_209 = arith.constant 0 : i32
      %dma_wait3A_210 = arith.constant 0 : i32
      %dma_wait3A_211 = tpu.memref_slice %arg7[%dma_wait3A_208, %dma_wait3A_209, %dma_wait3A_210] : memref<3x80x512xf32, #tpu.memory_space<vmem>> -> memref<1x80x512xf32, #tpu.memory_space<vmem>>
      %dma_wait3A_212 = tpu.memref_squeeze %dma_wait3A_211 : memref<1x80x512xf32, #tpu.memory_space<vmem>> -> memref<80x512xf32, #tpu.memory_space<vmem>>
      %dma_wait3A_213 = arith.constant 0 : i32
      %dma_wait3A_214 = arith.constant 0 : i32
      %dma_wait3A_215 = tpu.memref_slice %arg3[%dma_wait3A_213, %dma_wait3A_214] : memref<49408x512xf32, #tpu.memory_space<hbm>> -> memref<80x512xf32, #tpu.memory_space<hbm>>
      %dma_wait3A_216 = arith.constant 0 : i32
      %dma_wait3A_217 = arith.constant 0 : i32
      %dma_wait3A_218 = tpu.memref_slice %arg7[%dma_wait3A_208, %dma_wait3A_216, %dma_wait3A_217] : memref<3x80x512xf32, #tpu.memory_space<vmem>> -> memref<1x80x512xf32, #tpu.memory_space<vmem>>
      %dma_wait3A_219 = tpu.memref_squeeze %dma_wait3A_218 : memref<1x80x512xf32, #tpu.memory_space<vmem>> -> memref<80x512xf32, #tpu.memory_space<vmem>>
      %dma_wait3A_220 = arith.constant 0 : i32
      %dma_wait3A_221 = arith.constant 0 : i32
      %dma_wait3A_222 = tpu.memref_slice %arg3[%dma_wait3A_220, %dma_wait3A_221] : memref<49408x512xf32, #tpu.memory_space<hbm>> -> memref<80x512xf32, #tpu.memory_space<hbm>>
      tpu.wait_dma2 semaphore(%arg8 : memref<!tpu.dma_semaphore, #tpu.memory_space<semaphore_mem>>) src(%dma_wait3A_222 : memref<80x512xf32, #tpu.memory_space<hbm>>) dst(%dma_wait3A_219 : memref<80x512xf32, #tpu.memory_space<vmem>>)
      %add3A_223 = arith.constant 0 : i32
      %add3A_224 = arith.addi %mul3A_154, %add3A_223 : i32
      %add3A_225 = arith.addi %add3A_4, %add3A_224 : i32
      %dma_start3A_226 = arith.constant 0 : i32
      %dma_start3A_227 = arith.constant 0 : i32
      %dma_start3A_228 = arith.constant 0 : i32
      %dma_start3A_229 = tpu.memref_slice %arg7[%dma_start3A_226, %dma_start3A_227, %dma_start3A_228] : memref<3x80x512xf32, #tpu.memory_space<vmem>> -> memref<1x80x512xf32, #tpu.memory_space<vmem>>
      %dma_start3A_230 = tpu.memref_squeeze %dma_start3A_229 : memref<1x80x512xf32, #tpu.memory_space<vmem>> -> memref<80x512xf32, #tpu.memory_space<vmem>>
      %dma_start3A_231 = arith.constant 0 : i32
      %dma_start3A_232 = arith.constant 0 : i32
      %dma_start3A_233 = tpu.memref_slice %dma_start3A_230[%dma_start3A_231, %dma_start3A_232] : memref<80x512xf32, #tpu.memory_space<vmem>> -> memref<72x512xf32, #tpu.memory_space<vmem>>
      %dma_start3A_234 = arith.constant 0 : i32
      %dma_start3A_235 = arith.constant 0 : i32
      %dma_start3A_236 = tpu.memref_slice %arg4[%add3A_225, %dma_start3A_234, %dma_start3A_235] : memref<1000x77x512xf32, #tpu.memory_space<hbm>> -> memref<1x77x512xf32, #tpu.memory_space<hbm>>
      %dma_start3A_237 = tpu.memref_squeeze %dma_start3A_236 : memref<1x77x512xf32, #tpu.memory_space<hbm>> -> memref<77x512xf32, #tpu.memory_space<hbm>>
      %dma_start3A_238 = arith.constant 0 : i32
      %dma_start3A_239 = arith.constant 0 : i32
      %dma_start3A_240 = tpu.memref_slice %dma_start3A_237[%dma_start3A_238, %dma_start3A_239] : memref<77x512xf32, #tpu.memory_space<hbm>> -> memref<72x512xf32, #tpu.memory_space<hbm>>
      %dma_start3A_241 = arith.constant 0 : i32
      %dma_start3A_242 = arith.constant 0 : i32
      %dma_start3A_243 = tpu.memref_slice %arg4[%add3A_225, %dma_start3A_241, %dma_start3A_242] : memref<1000x77x512xf32, #tpu.memory_space<hbm>> -> memref<1x77x512xf32, #tpu.memory_space<hbm>>
      %dma_start3A_244 = tpu.memref_squeeze %dma_start3A_243 : memref<1x77x512xf32, #tpu.memory_space<hbm>> -> memref<77x512xf32, #tpu.memory_space<hbm>>
      %dma_start3A_245 = arith.constant 0 : i32
      %dma_start3A_246 = arith.constant 0 : i32
      %dma_start3A_247 = tpu.memref_slice %dma_start3A_244[%dma_start3A_245, %dma_start3A_246] : memref<77x512xf32, #tpu.memory_space<hbm>> -> memref<72x512xf32, #tpu.memory_space<hbm>>
      %dma_start3A_248 = arith.constant 0 : i32
      %dma_start3A_249 = arith.constant 0 : i32
      %dma_start3A_250 = tpu.memref_slice %arg7[%dma_start3A_226, %dma_start3A_248, %dma_start3A_249] : memref<3x80x512xf32, #tpu.memory_space<vmem>> -> memref<1x80x512xf32, #tpu.memory_space<vmem>>
      %dma_start3A_251 = tpu.memref_squeeze %dma_start3A_250 : memref<1x80x512xf32, #tpu.memory_space<vmem>> -> memref<80x512xf32, #tpu.memory_space<vmem>>
      %dma_start3A_252 = arith.constant 0 : i32
      %dma_start3A_253 = arith.constant 0 : i32
      %dma_start3A_254 = tpu.memref_slice %dma_start3A_251[%dma_start3A_252, %dma_start3A_253] : memref<80x512xf32, #tpu.memory_space<vmem>> -> memref<72x512xf32, #tpu.memory_space<vmem>>
      tpu.enqueue_dma source(%dma_start3A_254 : memref<72x512xf32, #tpu.memory_space<vmem>>) target(%dma_start3A_247 : memref<72x512xf32, #tpu.memory_space<hbm>>) target_semaphore(%arg8 : memref<!tpu.dma_semaphore, #tpu.memory_space<semaphore_mem>>)
      %mul3A_255 = arith.constant 8 : i32
      %mul3A_256 = arith.muli %add3A_225, %mul3A_255 : i32
      %dma_start3A_257 = arith.constant 0 : i32
      %dma_start3A_258 = arith.constant 0 : i32
      %dma_start3A_259 = arith.constant 0 : i32
      %dma_start3A_260 = tpu.memref_slice %arg7[%dma_start3A_257, %dma_start3A_258, %dma_start3A_259] : memref<3x80x512xf32, #tpu.memory_space<vmem>> -> memref<1x80x512xf32, #tpu.memory_space<vmem>>
      %dma_start3A_261 = tpu.memref_squeeze %dma_start3A_260 : memref<1x80x512xf32, #tpu.memory_space<vmem>> -> memref<80x512xf32, #tpu.memory_space<vmem>>
      %dma_start3A_262 = arith.constant 72 : i32
      %dma_start3A_263 = arith.constant 0 : i32
      %dma_start3A_264 = tpu.memref_slice %dma_start3A_261[%dma_start3A_262, %dma_start3A_263] : memref<80x512xf32, #tpu.memory_space<vmem>> -> memref<8x512xf32, #tpu.memory_space<vmem>>
      %dma_start3A_265 = arith.constant 0 : i32
      %dma_start3A_266 = tpu.memref_slice %arg5[%mul3A_256, %dma_start3A_265] : memref<8000x512xf32, #tpu.memory_space<hbm>> -> memref<8x512xf32, #tpu.memory_space<hbm>>
      %dma_start3A_267 = arith.constant 0 : i32
      %dma_start3A_268 = tpu.memref_slice %arg5[%mul3A_256, %dma_start3A_267] : memref<8000x512xf32, #tpu.memory_space<hbm>> -> memref<8x512xf32, #tpu.memory_space<hbm>>
      %dma_start3A_269 = arith.constant 0 : i32
      %dma_start3A_270 = arith.constant 0 : i32
      %dma_start3A_271 = tpu.memref_slice %arg7[%dma_start3A_257, %dma_start3A_269, %dma_start3A_270] : memref<3x80x512xf32, #tpu.memory_space<vmem>> -> memref<1x80x512xf32, #tpu.memory_space<vmem>>
      %dma_start3A_272 = tpu.memref_squeeze %dma_start3A_271 : memref<1x80x512xf32, #tpu.memory_space<vmem>> -> memref<80x512xf32, #tpu.memory_space<vmem>>
      %dma_start3A_273 = arith.constant 72 : i32
      %dma_start3A_274 = arith.constant 0 : i32
      %dma_start3A_275 = tpu.memref_slice %dma_start3A_272[%dma_start3A_273, %dma_start3A_274] : memref<80x512xf32, #tpu.memory_space<vmem>> -> memref<8x512xf32, #tpu.memory_space<vmem>>
      tpu.enqueue_dma source(%dma_start3A_275 : memref<8x512xf32, #tpu.memory_space<vmem>>) target(%dma_start3A_268 : memref<8x512xf32, #tpu.memory_space<hbm>>) target_semaphore(%arg8 : memref<!tpu.dma_semaphore, #tpu.memory_space<semaphore_mem>>)
      %dma_wait3A_276 = arith.constant 1 : i32
      %dma_wait3A_277 = arith.constant 0 : i32
      %dma_wait3A_278 = arith.constant 0 : i32
      %dma_wait3A_279 = tpu.memref_slice %arg7[%dma_wait3A_276, %dma_wait3A_277, %dma_wait3A_278] : memref<3x80x512xf32, #tpu.memory_space<vmem>> -> memref<1x80x512xf32, #tpu.memory_space<vmem>>
      %dma_wait3A_280 = tpu.memref_squeeze %dma_wait3A_279 : memref<1x80x512xf32, #tpu.memory_space<vmem>> -> memref<80x512xf32, #tpu.memory_space<vmem>>
      %dma_wait3A_281 = arith.constant 0 : i32
      %dma_wait3A_282 = arith.constant 0 : i32
      %dma_wait3A_283 = tpu.memref_slice %arg3[%dma_wait3A_281, %dma_wait3A_282] : memref<49408x512xf32, #tpu.memory_space<hbm>> -> memref<80x512xf32, #tpu.memory_space<hbm>>
      %dma_wait3A_284 = arith.constant 0 : i32
      %dma_wait3A_285 = arith.constant 0 : i32
      %dma_wait3A_286 = tpu.memref_slice %arg7[%dma_wait3A_276, %dma_wait3A_284, %dma_wait3A_285] : memref<3x80x512xf32, #tpu.memory_space<vmem>> -> memref<1x80x512xf32, #tpu.memory_space<vmem>>
      %dma_wait3A_287 = tpu.memref_squeeze %dma_wait3A_286 : memref<1x80x512xf32, #tpu.memory_space<vmem>> -> memref<80x512xf32, #tpu.memory_space<vmem>>
      %dma_wait3A_288 = arith.constant 0 : i32
      %dma_wait3A_289 = arith.constant 0 : i32
      %dma_wait3A_290 = tpu.memref_slice %arg3[%dma_wait3A_288, %dma_wait3A_289] : memref<49408x512xf32, #tpu.memory_space<hbm>> -> memref<80x512xf32, #tpu.memory_space<hbm>>
      tpu.wait_dma2 semaphore(%arg9 : memref<!tpu.dma_semaphore, #tpu.memory_space<semaphore_mem>>) src(%dma_wait3A_290 : memref<80x512xf32, #tpu.memory_space<hbm>>) dst(%dma_wait3A_287 : memref<80x512xf32, #tpu.memory_space<vmem>>)
      %add3A_291 = arith.constant 1 : i32
      %add3A_292 = arith.addi %mul3A_154, %add3A_291 : i32
      %add3A_293 = arith.addi %add3A_4, %add3A_292 : i32
      %dma_start3A_294 = arith.constant 1 : i32
      %dma_start3A_295 = arith.constant 0 : i32
      %dma_start3A_296 = arith.constant 0 : i32
      %dma_start3A_297 = tpu.memref_slice %arg7[%dma_start3A_294, %dma_start3A_295, %dma_start3A_296] : memref<3x80x512xf32, #tpu.memory_space<vmem>> -> memref<1x80x512xf32, #tpu.memory_space<vmem>>
      %dma_start3A_298 = tpu.memref_squeeze %dma_start3A_297 : memref<1x80x512xf32, #tpu.memory_space<vmem>> -> memref<80x512xf32, #tpu.memory_space<vmem>>
      %dma_start3A_299 = arith.constant 0 : i32
      %dma_start3A_300 = arith.constant 0 : i32
      %dma_start3A_301 = tpu.memref_slice %dma_start3A_298[%dma_start3A_299, %dma_start3A_300] : memref<80x512xf32, #tpu.memory_space<vmem>> -> memref<72x512xf32, #tpu.memory_space<vmem>>
      %dma_start3A_302 = arith.constant 0 : i32
      %dma_start3A_303 = arith.constant 0 : i32
      %dma_start3A_304 = tpu.memref_slice %arg4[%add3A_293, %dma_start3A_302, %dma_start3A_303] : memref<1000x77x512xf32, #tpu.memory_space<hbm>> -> memref<1x77x512xf32, #tpu.memory_space<hbm>>
      %dma_start3A_305 = tpu.memref_squeeze %dma_start3A_304 : memref<1x77x512xf32, #tpu.memory_space<hbm>> -> memref<77x512xf32, #tpu.memory_space<hbm>>
      %dma_start3A_306 = arith.constant 0 : i32
      %dma_start3A_307 = arith.constant 0 : i32
      %dma_start3A_308 = tpu.memref_slice %dma_start3A_305[%dma_start3A_306, %dma_start3A_307] : memref<77x512xf32, #tpu.memory_space<hbm>> -> memref<72x512xf32, #tpu.memory_space<hbm>>
      %dma_start3A_309 = arith.constant 0 : i32
      %dma_start3A_310 = arith.constant 0 : i32
      %dma_start3A_311 = tpu.memref_slice %arg4[%add3A_293, %dma_start3A_309, %dma_start3A_310] : memref<1000x77x512xf32, #tpu.memory_space<hbm>> -> memref<1x77x512xf32, #tpu.memory_space<hbm>>
      %dma_start3A_312 = tpu.memref_squeeze %dma_start3A_311 : memref<1x77x512xf32, #tpu.memory_space<hbm>> -> memref<77x512xf32, #tpu.memory_space<hbm>>
      %dma_start3A_313 = arith.constant 0 : i32
      %dma_start3A_314 = arith.constant 0 : i32
      %dma_start3A_315 = tpu.memref_slice %dma_start3A_312[%dma_start3A_313, %dma_start3A_314] : memref<77x512xf32, #tpu.memory_space<hbm>> -> memref<72x512xf32, #tpu.memory_space<hbm>>
      %dma_start3A_316 = arith.constant 0 : i32
      %dma_start3A_317 = arith.constant 0 : i32
      %dma_start3A_318 = tpu.memref_slice %arg7[%dma_start3A_294, %dma_start3A_316, %dma_start3A_317] : memref<3x80x512xf32, #tpu.memory_space<vmem>> -> memref<1x80x512xf32, #tpu.memory_space<vmem>>
      %dma_start3A_319 = tpu.memref_squeeze %dma_start3A_318 : memref<1x80x512xf32, #tpu.memory_space<vmem>> -> memref<80x512xf32, #tpu.memory_space<vmem>>
      %dma_start3A_320 = arith.constant 0 : i32
      %dma_start3A_321 = arith.constant 0 : i32
      %dma_start3A_322 = tpu.memref_slice %dma_start3A_319[%dma_start3A_320, %dma_start3A_321] : memref<80x512xf32, #tpu.memory_space<vmem>> -> memref<72x512xf32, #tpu.memory_space<vmem>>
      tpu.enqueue_dma source(%dma_start3A_322 : memref<72x512xf32, #tpu.memory_space<vmem>>) target(%dma_start3A_315 : memref<72x512xf32, #tpu.memory_space<hbm>>) target_semaphore(%arg9 : memref<!tpu.dma_semaphore, #tpu.memory_space<semaphore_mem>>)
      %mul3A_323 = arith.constant 8 : i32
      %mul3A_324 = arith.muli %add3A_293, %mul3A_323 : i32
      %dma_start3A_325 = arith.constant 1 : i32
      %dma_start3A_326 = arith.constant 0 : i32
      %dma_start3A_327 = arith.constant 0 : i32
      %dma_start3A_328 = tpu.memref_slice %arg7[%dma_start3A_325, %dma_start3A_326, %dma_start3A_327] : memref<3x80x512xf32, #tpu.memory_space<vmem>> -> memref<1x80x512xf32, #tpu.memory_space<vmem>>
      %dma_start3A_329 = tpu.memref_squeeze %dma_start3A_328 : memref<1x80x512xf32, #tpu.memory_space<vmem>> -> memref<80x512xf32, #tpu.memory_space<vmem>>
      %dma_start3A_330 = arith.constant 72 : i32
      %dma_start3A_331 = arith.constant 0 : i32
      %dma_start3A_332 = tpu.memref_slice %dma_start3A_329[%dma_start3A_330, %dma_start3A_331] : memref<80x512xf32, #tpu.memory_space<vmem>> -> memref<8x512xf32, #tpu.memory_space<vmem>>
      %dma_start3A_333 = arith.constant 0 : i32
      %dma_start3A_334 = tpu.memref_slice %arg5[%mul3A_324, %dma_start3A_333] : memref<8000x512xf32, #tpu.memory_space<hbm>> -> memref<8x512xf32, #tpu.memory_space<hbm>>
      %dma_start3A_335 = arith.constant 0 : i32
      %dma_start3A_336 = tpu.memref_slice %arg5[%mul3A_324, %dma_start3A_335] : memref<8000x512xf32, #tpu.memory_space<hbm>> -> memref<8x512xf32, #tpu.memory_space<hbm>>
      %dma_start3A_337 = arith.constant 0 : i32
      %dma_start3A_338 = arith.constant 0 : i32
      %dma_start3A_339 = tpu.memref_slice %arg7[%dma_start3A_325, %dma_start3A_337, %dma_start3A_338] : memref<3x80x512xf32, #tpu.memory_space<vmem>> -> memref<1x80x512xf32, #tpu.memory_space<vmem>>
      %dma_start3A_340 = tpu.memref_squeeze %dma_start3A_339 : memref<1x80x512xf32, #tpu.memory_space<vmem>> -> memref<80x512xf32, #tpu.memory_space<vmem>>
      %dma_start3A_341 = arith.constant 72 : i32
      %dma_start3A_342 = arith.constant 0 : i32
      %dma_start3A_343 = tpu.memref_slice %dma_start3A_340[%dma_start3A_341, %dma_start3A_342] : memref<80x512xf32, #tpu.memory_space<vmem>> -> memref<8x512xf32, #tpu.memory_space<vmem>>
      tpu.enqueue_dma source(%dma_start3A_343 : memref<8x512xf32, #tpu.memory_space<vmem>>) target(%dma_start3A_336 : memref<8x512xf32, #tpu.memory_space<hbm>>) target_semaphore(%arg9 : memref<!tpu.dma_semaphore, #tpu.memory_space<semaphore_mem>>)
      %dma_wait3A_344 = arith.constant 2 : i32
      %dma_wait3A_345 = arith.constant 0 : i32
      %dma_wait3A_346 = arith.constant 0 : i32
      %dma_wait3A_347 = tpu.memref_slice %arg7[%dma_wait3A_344, %dma_wait3A_345, %dma_wait3A_346] : memref<3x80x512xf32, #tpu.memory_space<vmem>> -> memref<1x80x512xf32, #tpu.memory_space<vmem>>
      %dma_wait3A_348 = tpu.memref_squeeze %dma_wait3A_347 : memref<1x80x512xf32, #tpu.memory_space<vmem>> -> memref<80x512xf32, #tpu.memory_space<vmem>>
      %dma_wait3A_349 = arith.constant 0 : i32
      %dma_wait3A_350 = arith.constant 0 : i32
      %dma_wait3A_351 = tpu.memref_slice %arg3[%dma_wait3A_349, %dma_wait3A_350] : memref<49408x512xf32, #tpu.memory_space<hbm>> -> memref<80x512xf32, #tpu.memory_space<hbm>>
      %dma_wait3A_352 = arith.constant 0 : i32
      %dma_wait3A_353 = arith.constant 0 : i32
      %dma_wait3A_354 = tpu.memref_slice %arg7[%dma_wait3A_344, %dma_wait3A_352, %dma_wait3A_353] : memref<3x80x512xf32, #tpu.memory_space<vmem>> -> memref<1x80x512xf32, #tpu.memory_space<vmem>>
      %dma_wait3A_355 = tpu.memref_squeeze %dma_wait3A_354 : memref<1x80x512xf32, #tpu.memory_space<vmem>> -> memref<80x512xf32, #tpu.memory_space<vmem>>
      %dma_wait3A_356 = arith.constant 0 : i32
      %dma_wait3A_357 = arith.constant 0 : i32
      %dma_wait3A_358 = tpu.memref_slice %arg3[%dma_wait3A_356, %dma_wait3A_357] : memref<49408x512xf32, #tpu.memory_space<hbm>> -> memref<80x512xf32, #tpu.memory_space<hbm>>
      tpu.wait_dma2 semaphore(%arg10 : memref<!tpu.dma_semaphore, #tpu.memory_space<semaphore_mem>>) src(%dma_wait3A_358 : memref<80x512xf32, #tpu.memory_space<hbm>>) dst(%dma_wait3A_355 : memref<80x512xf32, #tpu.memory_space<vmem>>)
      %add3A_359 = arith.constant 2 : i32
      %add3A_360 = arith.addi %mul3A_154, %add3A_359 : i32
      %add3A_361 = arith.addi %add3A_4, %add3A_360 : i32
      %dma_start3A_362 = arith.constant 2 : i32
      %dma_start3A_363 = arith.constant 0 : i32
      %dma_start3A_364 = arith.constant 0 : i32
      %dma_start3A_365 = tpu.memref_slice %arg7[%dma_start3A_362, %dma_start3A_363, %dma_start3A_364] : memref<3x80x512xf32, #tpu.memory_space<vmem>> -> memref<1x80x512xf32, #tpu.memory_space<vmem>>
      %dma_start3A_366 = tpu.memref_squeeze %dma_start3A_365 : memref<1x80x512xf32, #tpu.memory_space<vmem>> -> memref<80x512xf32, #tpu.memory_space<vmem>>
      %dma_start3A_367 = arith.constant 0 : i32
      %dma_start3A_368 = arith.constant 0 : i32
      %dma_start3A_369 = tpu.memref_slice %dma_start3A_366[%dma_start3A_367, %dma_start3A_368] : memref<80x512xf32, #tpu.memory_space<vmem>> -> memref<72x512xf32, #tpu.memory_space<vmem>>
      %dma_start3A_370 = arith.constant 0 : i32
      %dma_start3A_371 = arith.constant 0 : i32
      %dma_start3A_372 = tpu.memref_slice %arg4[%add3A_361, %dma_start3A_370, %dma_start3A_371] : memref<1000x77x512xf32, #tpu.memory_space<hbm>> -> memref<1x77x512xf32, #tpu.memory_space<hbm>>
      %dma_start3A_373 = tpu.memref_squeeze %dma_start3A_372 : memref<1x77x512xf32, #tpu.memory_space<hbm>> -> memref<77x512xf32, #tpu.memory_space<hbm>>
      %dma_start3A_374 = arith.constant 0 : i32
      %dma_start3A_375 = arith.constant 0 : i32
      %dma_start3A_376 = tpu.memref_slice %dma_start3A_373[%dma_start3A_374, %dma_start3A_375] : memref<77x512xf32, #tpu.memory_space<hbm>> -> memref<72x512xf32, #tpu.memory_space<hbm>>
      %dma_start3A_377 = arith.constant 0 : i32
      %dma_start3A_378 = arith.constant 0 : i32
      %dma_start3A_379 = tpu.memref_slice %arg4[%add3A_361, %dma_start3A_377, %dma_start3A_378] : memref<1000x77x512xf32, #tpu.memory_space<hbm>> -> memref<1x77x512xf32, #tpu.memory_space<hbm>>
      %dma_start3A_380 = tpu.memref_squeeze %dma_start3A_379 : memref<1x77x512xf32, #tpu.memory_space<hbm>> -> memref<77x512xf32, #tpu.memory_space<hbm>>
      %dma_start3A_381 = arith.constant 0 : i32
      %dma_start3A_382 = arith.constant 0 : i32
      %dma_start3A_383 = tpu.memref_slice %dma_start3A_380[%dma_start3A_381, %dma_start3A_382] : memref<77x512xf32, #tpu.memory_space<hbm>> -> memref<72x512xf32, #tpu.memory_space<hbm>>
      %dma_start3A_384 = arith.constant 0 : i32
      %dma_start3A_385 = arith.constant 0 : i32
      %dma_start3A_386 = tpu.memref_slice %arg7[%dma_start3A_362, %dma_start3A_384, %dma_start3A_385] : memref<3x80x512xf32, #tpu.memory_space<vmem>> -> memref<1x80x512xf32, #tpu.memory_space<vmem>>
      %dma_start3A_387 = tpu.memref_squeeze %dma_start3A_386 : memref<1x80x512xf32, #tpu.memory_space<vmem>> -> memref<80x512xf32, #tpu.memory_space<vmem>>
      %dma_start3A_388 = arith.constant 0 : i32
      %dma_start3A_389 = arith.constant 0 : i32
      %dma_start3A_390 = tpu.memref_slice %dma_start3A_387[%dma_start3A_388, %dma_start3A_389] : memref<80x512xf32, #tpu.memory_space<vmem>> -> memref<72x512xf32, #tpu.memory_space<vmem>>
      tpu.enqueue_dma source(%dma_start3A_390 : memref<72x512xf32, #tpu.memory_space<vmem>>) target(%dma_start3A_383 : memref<72x512xf32, #tpu.memory_space<hbm>>) target_semaphore(%arg10 : memref<!tpu.dma_semaphore, #tpu.memory_space<semaphore_mem>>)
      %mul3A_391 = arith.constant 8 : i32
      %mul3A_392 = arith.muli %add3A_361, %mul3A_391 : i32
      %dma_start3A_393 = arith.constant 2 : i32
      %dma_start3A_394 = arith.constant 0 : i32
      %dma_start3A_395 = arith.constant 0 : i32
      %dma_start3A_396 = tpu.memref_slice %arg7[%dma_start3A_393, %dma_start3A_394, %dma_start3A_395] : memref<3x80x512xf32, #tpu.memory_space<vmem>> -> memref<1x80x512xf32, #tpu.memory_space<vmem>>
      %dma_start3A_397 = tpu.memref_squeeze %dma_start3A_396 : memref<1x80x512xf32, #tpu.memory_space<vmem>> -> memref<80x512xf32, #tpu.memory_space<vmem>>
      %dma_start3A_398 = arith.constant 72 : i32
      %dma_start3A_399 = arith.constant 0 : i32
      %dma_start3A_400 = tpu.memref_slice %dma_start3A_397[%dma_start3A_398, %dma_start3A_399] : memref<80x512xf32, #tpu.memory_space<vmem>> -> memref<8x512xf32, #tpu.memory_space<vmem>>
      %dma_start3A_401 = arith.constant 0 : i32
      %dma_start3A_402 = tpu.memref_slice %arg5[%mul3A_392, %dma_start3A_401] : memref<8000x512xf32, #tpu.memory_space<hbm>> -> memref<8x512xf32, #tpu.memory_space<hbm>>
      %dma_start3A_403 = arith.constant 0 : i32
      %dma_start3A_404 = tpu.memref_slice %arg5[%mul3A_392, %dma_start3A_403] : memref<8000x512xf32, #tpu.memory_space<hbm>> -> memref<8x512xf32, #tpu.memory_space<hbm>>
      %dma_start3A_405 = arith.constant 0 : i32
      %dma_start3A_406 = arith.constant 0 : i32
      %dma_start3A_407 = tpu.memref_slice %arg7[%dma_start3A_393, %dma_start3A_405, %dma_start3A_406] : memref<3x80x512xf32, #tpu.memory_space<vmem>> -> memref<1x80x512xf32, #tpu.memory_space<vmem>>
      %dma_start3A_408 = tpu.memref_squeeze %dma_start3A_407 : memref<1x80x512xf32, #tpu.memory_space<vmem>> -> memref<80x512xf32, #tpu.memory_space<vmem>>
      %dma_start3A_409 = arith.constant 72 : i32
      %dma_start3A_410 = arith.constant 0 : i32
      %dma_start3A_411 = tpu.memref_slice %dma_start3A_408[%dma_start3A_409, %dma_start3A_410] : memref<80x512xf32, #tpu.memory_space<vmem>> -> memref<8x512xf32, #tpu.memory_space<vmem>>
      tpu.enqueue_dma source(%dma_start3A_411 : memref<8x512xf32, #tpu.memory_space<vmem>>) target(%dma_start3A_404 : memref<8x512xf32, #tpu.memory_space<hbm>>) target_semaphore(%arg10 : memref<!tpu.dma_semaphore, #tpu.memory_space<semaphore_mem>>)
    }
    %scan3A_13 = arith.constant 10 : i32
    %dma_wait3A = arith.constant 0 : i32
    %dma_wait3A_14 = arith.constant 0 : i32
    %dma_wait3A_15 = arith.constant 0 : i32
    %dma_wait3A_16 = tpu.memref_slice %arg7[%dma_wait3A, %dma_wait3A_14, %dma_wait3A_15] : memref<3x80x512xf32, #tpu.memory_space<vmem>> -> memref<1x80x512xf32, #tpu.memory_space<vmem>>
    %dma_wait3A_17 = tpu.memref_squeeze %dma_wait3A_16 : memref<1x80x512xf32, #tpu.memory_space<vmem>> -> memref<80x512xf32, #tpu.memory_space<vmem>>
    %dma_wait3A_18 = arith.constant 0 : i32
    %dma_wait3A_19 = arith.constant 0 : i32
    %dma_wait3A_20 = tpu.memref_slice %arg3[%dma_wait3A_18, %dma_wait3A_19] : memref<49408x512xf32, #tpu.memory_space<hbm>> -> memref<80x512xf32, #tpu.memory_space<hbm>>
    %dma_wait3A_21 = arith.constant 0 : i32
    %dma_wait3A_22 = arith.constant 0 : i32
    %dma_wait3A_23 = tpu.memref_slice %arg7[%dma_wait3A, %dma_wait3A_21, %dma_wait3A_22] : memref<3x80x512xf32, #tpu.memory_space<vmem>> -> memref<1x80x512xf32, #tpu.memory_space<vmem>>
    %dma_wait3A_24 = tpu.memref_squeeze %dma_wait3A_23 : memref<1x80x512xf32, #tpu.memory_space<vmem>> -> memref<80x512xf32, #tpu.memory_space<vmem>>
    %dma_wait3A_25 = arith.constant 0 : i32
    %dma_wait3A_26 = arith.constant 0 : i32
    %dma_wait3A_27 = tpu.memref_slice %arg3[%dma_wait3A_25, %dma_wait3A_26] : memref<49408x512xf32, #tpu.memory_space<hbm>> -> memref<80x512xf32, #tpu.memory_space<hbm>>
    tpu.wait_dma2 semaphore(%arg8 : memref<!tpu.dma_semaphore, #tpu.memory_space<semaphore_mem>>) src(%dma_wait3A_27 : memref<80x512xf32, #tpu.memory_space<hbm>>) dst(%dma_wait3A_24 : memref<80x512xf32, #tpu.memory_space<vmem>>)
    %dma_start3A = arith.constant 0 : i32
    %dma_start3A_28 = arith.constant 0 : i32
    %dma_start3A_29 = arith.constant 0 : i32
    %dma_start3A_30 = tpu.memref_slice %arg7[%dma_start3A, %dma_start3A_28, %dma_start3A_29] : memref<3x80x512xf32, #tpu.memory_space<vmem>> -> memref<1x80x512xf32, #tpu.memory_space<vmem>>
    %dma_start3A_31 = tpu.memref_squeeze %dma_start3A_30 : memref<1x80x512xf32, #tpu.memory_space<vmem>> -> memref<80x512xf32, #tpu.memory_space<vmem>>
    %dma_start3A_32 = arith.constant 2400 : i32
    %dma_start3A_33 = tpu.memref_slice %arg6[%dma_start3A_32] : memref<2560xi32, #tpu.memory_space<vmem>> -> memref<80xi32, #tpu.memory_space<vmem>>
    %dma_start3A_34 = arith.constant 0 : i32
    %dma_start3A_35 = arith.constant 0 : i32
    %dma_start3A_36 = tpu.memref_slice %arg3[%dma_start3A_34, %dma_start3A_35] : memref<49408x512xf32, #tpu.memory_space<hbm>> -> memref<49408x512xf32, #tpu.memory_space<hbm>>
    tpu.enqueue_indirect_dma source(%dma_start3A_36 : memref<49408x512xf32, #tpu.memory_space<hbm>>) target(%dma_start3A_31 : memref<80x512xf32, #tpu.memory_space<vmem>>) offsets(%dma_start3A_33 : memref<80xi32, #tpu.memory_space<vmem>>) semaphore(%arg8 : memref<!tpu.dma_semaphore, #tpu.memory_space<semaphore_mem>>)
    %dma_wait3A_37 = arith.constant 0 : i32
    %dma_wait3A_38 = arith.constant 0 : i32
    %dma_wait3A_39 = arith.constant 0 : i32
    %dma_wait3A_40 = tpu.memref_slice %arg7[%dma_wait3A_37, %dma_wait3A_38, %dma_wait3A_39] : memref<3x80x512xf32, #tpu.memory_space<vmem>> -> memref<1x80x512xf32, #tpu.memory_space<vmem>>
    %dma_wait3A_41 = tpu.memref_squeeze %dma_wait3A_40 : memref<1x80x512xf32, #tpu.memory_space<vmem>> -> memref<80x512xf32, #tpu.memory_space<vmem>>
    %dma_wait3A_42 = arith.constant 0 : i32
    %dma_wait3A_43 = arith.constant 0 : i32
    %dma_wait3A_44 = tpu.memref_slice %arg3[%dma_wait3A_42, %dma_wait3A_43] : memref<49408x512xf32, #tpu.memory_space<hbm>> -> memref<80x512xf32, #tpu.memory_space<hbm>>
    %dma_wait3A_45 = arith.constant 0 : i32
    %dma_wait3A_46 = arith.constant 0 : i32
    %dma_wait3A_47 = tpu.memref_slice %arg7[%dma_wait3A_37, %dma_wait3A_45, %dma_wait3A_46] : memref<3x80x512xf32, #tpu.memory_space<vmem>> -> memref<1x80x512xf32, #tpu.memory_space<vmem>>
    %dma_wait3A_48 = tpu.memref_squeeze %dma_wait3A_47 : memref<1x80x512xf32, #tpu.memory_space<vmem>> -> memref<80x512xf32, #tpu.memory_space<vmem>>
    %dma_wait3A_49 = arith.constant 0 : i32
    %dma_wait3A_50 = arith.constant 0 : i32
    %dma_wait3A_51 = tpu.memref_slice %arg3[%dma_wait3A_49, %dma_wait3A_50] : memref<49408x512xf32, #tpu.memory_space<hbm>> -> memref<80x512xf32, #tpu.memory_space<hbm>>
    tpu.wait_dma2 semaphore(%arg8 : memref<!tpu.dma_semaphore, #tpu.memory_space<semaphore_mem>>) src(%dma_wait3A_51 : memref<80x512xf32, #tpu.memory_space<hbm>>) dst(%dma_wait3A_48 : memref<80x512xf32, #tpu.memory_space<vmem>>)
    %add3A_52 = arith.constant 30 : i32
    %add3A_53 = arith.addi %add3A_4, %add3A_52 : i32
    %dma_start3A_54 = arith.constant 0 : i32
    %dma_start3A_55 = arith.constant 0 : i32
    %dma_start3A_56 = arith.constant 0 : i32
    %dma_start3A_57 = tpu.memref_slice %arg7[%dma_start3A_54, %dma_start3A_55, %dma_start3A_56] : memref<3x80x512xf32, #tpu.memory_space<vmem>> -> memref<1x80x512xf32, #tpu.memory_space<vmem>>
    %dma_start3A_58 = tpu.memref_squeeze %dma_start3A_57 : memref<1x80x512xf32, #tpu.memory_space<vmem>> -> memref<80x512xf32, #tpu.memory_space<vmem>>
    %dma_start3A_59 = arith.constant 0 : i32
    %dma_start3A_60 = arith.constant 0 : i32
    %dma_start3A_61 = tpu.memref_slice %dma_start3A_58[%dma_start3A_59, %dma_start3A_60] : memref<80x512xf32, #tpu.memory_space<vmem>> -> memref<72x512xf32, #tpu.memory_space<vmem>>
    %dma_start3A_62 = arith.constant 0 : i32
    %dma_start3A_63 = arith.constant 0 : i32
    %dma_start3A_64 = tpu.memref_slice %arg4[%add3A_53, %dma_start3A_62, %dma_start3A_63] : memref<1000x77x512xf32, #tpu.memory_space<hbm>> -> memref<1x77x512xf32, #tpu.memory_space<hbm>>
    %dma_start3A_65 = tpu.memref_squeeze %dma_start3A_64 : memref<1x77x512xf32, #tpu.memory_space<hbm>> -> memref<77x512xf32, #tpu.memory_space<hbm>>
    %dma_start3A_66 = arith.constant 0 : i32
    %dma_start3A_67 = arith.constant 0 : i32
    %dma_start3A_68 = tpu.memref_slice %dma_start3A_65[%dma_start3A_66, %dma_start3A_67] : memref<77x512xf32, #tpu.memory_space<hbm>> -> memref<72x512xf32, #tpu.memory_space<hbm>>
    %dma_start3A_69 = arith.constant 0 : i32
    %dma_start3A_70 = arith.constant 0 : i32
    %dma_start3A_71 = tpu.memref_slice %arg4[%add3A_53, %dma_start3A_69, %dma_start3A_70] : memref<1000x77x512xf32, #tpu.memory_space<hbm>> -> memref<1x77x512xf32, #tpu.memory_space<hbm>>
    %dma_start3A_72 = tpu.memref_squeeze %dma_start3A_71 : memref<1x77x512xf32, #tpu.memory_space<hbm>> -> memref<77x512xf32, #tpu.memory_space<hbm>>
    %dma_start3A_73 = arith.constant 0 : i32
    %dma_start3A_74 = arith.constant 0 : i32
    %dma_start3A_75 = tpu.memref_slice %dma_start3A_72[%dma_start3A_73, %dma_start3A_74] : memref<77x512xf32, #tpu.memory_space<hbm>> -> memref<72x512xf32, #tpu.memory_space<hbm>>
    %dma_start3A_76 = arith.constant 0 : i32
    %dma_start3A_77 = arith.constant 0 : i32
    %dma_start3A_78 = tpu.memref_slice %arg7[%dma_start3A_54, %dma_start3A_76, %dma_start3A_77] : memref<3x80x512xf32, #tpu.memory_space<vmem>> -> memref<1x80x512xf32, #tpu.memory_space<vmem>>
    %dma_start3A_79 = tpu.memref_squeeze %dma_start3A_78 : memref<1x80x512xf32, #tpu.memory_space<vmem>> -> memref<80x512xf32, #tpu.memory_space<vmem>>
    %dma_start3A_80 = arith.constant 0 : i32
    %dma_start3A_81 = arith.constant 0 : i32
    %dma_start3A_82 = tpu.memref_slice %dma_start3A_79[%dma_start3A_80, %dma_start3A_81] : memref<80x512xf32, #tpu.memory_space<vmem>> -> memref<72x512xf32, #tpu.memory_space<vmem>>
    tpu.enqueue_dma source(%dma_start3A_82 : memref<72x512xf32, #tpu.memory_space<vmem>>) target(%dma_start3A_75 : memref<72x512xf32, #tpu.memory_space<hbm>>) target_semaphore(%arg8 : memref<!tpu.dma_semaphore, #tpu.memory_space<semaphore_mem>>)
    %mul3A_83 = arith.constant 8 : i32
    %mul3A_84 = arith.muli %add3A_53, %mul3A_83 : i32
    %dma_start3A_85 = arith.constant 0 : i32
    %dma_start3A_86 = arith.constant 0 : i32
    %dma_start3A_87 = arith.constant 0 : i32
    %dma_start3A_88 = tpu.memref_slice %arg7[%dma_start3A_85, %dma_start3A_86, %dma_start3A_87] : memref<3x80x512xf32, #tpu.memory_space<vmem>> -> memref<1x80x512xf32, #tpu.memory_space<vmem>>
    %dma_start3A_89 = tpu.memref_squeeze %dma_start3A_88 : memref<1x80x512xf32, #tpu.memory_space<vmem>> -> memref<80x512xf32, #tpu.memory_space<vmem>>
    %dma_start3A_90 = arith.constant 72 : i32
    %dma_start3A_91 = arith.constant 0 : i32
    %dma_start3A_92 = tpu.memref_slice %dma_start3A_89[%dma_start3A_90, %dma_start3A_91] : memref<80x512xf32, #tpu.memory_space<vmem>> -> memref<8x512xf32, #tpu.memory_space<vmem>>
    %dma_start3A_93 = arith.constant 0 : i32
    %dma_start3A_94 = tpu.memref_slice %arg5[%mul3A_84, %dma_start3A_93] : memref<8000x512xf32, #tpu.memory_space<hbm>> -> memref<8x512xf32, #tpu.memory_space<hbm>>
    %dma_start3A_95 = arith.constant 0 : i32
    %dma_start3A_96 = tpu.memref_slice %arg5[%mul3A_84, %dma_start3A_95] : memref<8000x512xf32, #tpu.memory_space<hbm>> -> memref<8x512xf32, #tpu.memory_space<hbm>>
    %dma_start3A_97 = arith.constant 0 : i32
    %dma_start3A_98 = arith.constant 0 : i32
    %dma_start3A_99 = tpu.memref_slice %arg7[%dma_start3A_85, %dma_start3A_97, %dma_start3A_98] : memref<3x80x512xf32, #tpu.memory_space<vmem>> -> memref<1x80x512xf32, #tpu.memory_space<vmem>>
    %dma_start3A_100 = tpu.memref_squeeze %dma_start3A_99 : memref<1x80x512xf32, #tpu.memory_space<vmem>> -> memref<80x512xf32, #tpu.memory_space<vmem>>
    %dma_start3A_101 = arith.constant 72 : i32
    %dma_start3A_102 = arith.constant 0 : i32
    %dma_start3A_103 = tpu.memref_slice %dma_start3A_100[%dma_start3A_101, %dma_start3A_102] : memref<80x512xf32, #tpu.memory_space<vmem>> -> memref<8x512xf32, #tpu.memory_space<vmem>>
    tpu.enqueue_dma source(%dma_start3A_103 : memref<8x512xf32, #tpu.memory_space<vmem>>) target(%dma_start3A_96 : memref<8x512xf32, #tpu.memory_space<hbm>>) target_semaphore(%arg8 : memref<!tpu.dma_semaphore, #tpu.memory_space<semaphore_mem>>)
    %convert_element_type3A_104 = arith.extui %lt3A_5 : i1 to i32
    %cond3A_105 = arith.constant 0 : i32
    %cond3A_106 = arith.cmpi ne, %convert_element_type3A_104, %cond3A_105 : i32
    scf.if %cond3A_106 {
      %dma_wait3A_152 = arith.constant 1 : i32
      %dma_wait3A_153 = arith.constant 0 : i32
      %dma_wait3A_154 = arith.constant 0 : i32
      %dma_wait3A_155 = tpu.memref_slice %arg7[%dma_wait3A_152, %dma_wait3A_153, %dma_wait3A_154] : memref<3x80x512xf32, #tpu.memory_space<vmem>> -> memref<1x80x512xf32, #tpu.memory_space<vmem>>
      %dma_wait3A_156 = tpu.memref_squeeze %dma_wait3A_155 : memref<1x80x512xf32, #tpu.memory_space<vmem>> -> memref<80x512xf32, #tpu.memory_space<vmem>>
      %dma_wait3A_157 = arith.constant 0 : i32
      %dma_wait3A_158 = arith.constant 0 : i32
      %dma_wait3A_159 = tpu.memref_slice %arg3[%dma_wait3A_157, %dma_wait3A_158] : memref<49408x512xf32, #tpu.memory_space<hbm>> -> memref<80x512xf32, #tpu.memory_space<hbm>>
      %dma_wait3A_160 = arith.constant 0 : i32
      %dma_wait3A_161 = arith.constant 0 : i32
      %dma_wait3A_162 = tpu.memref_slice %arg7[%dma_wait3A_152, %dma_wait3A_160, %dma_wait3A_161] : memref<3x80x512xf32, #tpu.memory_space<vmem>> -> memref<1x80x512xf32, #tpu.memory_space<vmem>>
      %dma_wait3A_163 = tpu.memref_squeeze %dma_wait3A_162 : memref<1x80x512xf32, #tpu.memory_space<vmem>> -> memref<80x512xf32, #tpu.memory_space<vmem>>
      %dma_wait3A_164 = arith.constant 0 : i32
      %dma_wait3A_165 = arith.constant 0 : i32
      %dma_wait3A_166 = tpu.memref_slice %arg3[%dma_wait3A_164, %dma_wait3A_165] : memref<49408x512xf32, #tpu.memory_space<hbm>> -> memref<80x512xf32, #tpu.memory_space<hbm>>
      tpu.wait_dma2 semaphore(%arg9 : memref<!tpu.dma_semaphore, #tpu.memory_space<semaphore_mem>>) src(%dma_wait3A_166 : memref<80x512xf32, #tpu.memory_space<hbm>>) dst(%dma_wait3A_163 : memref<80x512xf32, #tpu.memory_space<vmem>>)
      %dma_start3A_167 = arith.constant 1 : i32
      %dma_start3A_168 = arith.constant 0 : i32
      %dma_start3A_169 = arith.constant 0 : i32
      %dma_start3A_170 = tpu.memref_slice %arg7[%dma_start3A_167, %dma_start3A_168, %dma_start3A_169] : memref<3x80x512xf32, #tpu.memory_space<vmem>> -> memref<1x80x512xf32, #tpu.memory_space<vmem>>
      %dma_start3A_171 = tpu.memref_squeeze %dma_start3A_170 : memref<1x80x512xf32, #tpu.memory_space<vmem>> -> memref<80x512xf32, #tpu.memory_space<vmem>>
      %dma_start3A_172 = arith.constant 2480 : i32
      %dma_start3A_173 = tpu.memref_slice %arg6[%dma_start3A_172] : memref<2560xi32, #tpu.memory_space<vmem>> -> memref<80xi32, #tpu.memory_space<vmem>>
      %dma_start3A_174 = arith.constant 0 : i32
      %dma_start3A_175 = arith.constant 0 : i32
      %dma_start3A_176 = tpu.memref_slice %arg3[%dma_start3A_174, %dma_start3A_175] : memref<49408x512xf32, #tpu.memory_space<hbm>> -> memref<49408x512xf32, #tpu.memory_space<hbm>>
      tpu.enqueue_indirect_dma source(%dma_start3A_176 : memref<49408x512xf32, #tpu.memory_space<hbm>>) target(%dma_start3A_171 : memref<80x512xf32, #tpu.memory_space<vmem>>) offsets(%dma_start3A_173 : memref<80xi32, #tpu.memory_space<vmem>>) semaphore(%arg9 : memref<!tpu.dma_semaphore, #tpu.memory_space<semaphore_mem>>)
      %dma_wait3A_177 = arith.constant 1 : i32
      %dma_wait3A_178 = arith.constant 0 : i32
      %dma_wait3A_179 = arith.constant 0 : i32
      %dma_wait3A_180 = tpu.memref_slice %arg7[%dma_wait3A_177, %dma_wait3A_178, %dma_wait3A_179] : memref<3x80x512xf32, #tpu.memory_space<vmem>> -> memref<1x80x512xf32, #tpu.memory_space<vmem>>
      %dma_wait3A_181 = tpu.memref_squeeze %dma_wait3A_180 : memref<1x80x512xf32, #tpu.memory_space<vmem>> -> memref<80x512xf32, #tpu.memory_space<vmem>>
      %dma_wait3A_182 = arith.constant 0 : i32
      %dma_wait3A_183 = arith.constant 0 : i32
      %dma_wait3A_184 = tpu.memref_slice %arg3[%dma_wait3A_182, %dma_wait3A_183] : memref<49408x512xf32, #tpu.memory_space<hbm>> -> memref<80x512xf32, #tpu.memory_space<hbm>>
      %dma_wait3A_185 = arith.constant 0 : i32
      %dma_wait3A_186 = arith.constant 0 : i32
      %dma_wait3A_187 = tpu.memref_slice %arg7[%dma_wait3A_177, %dma_wait3A_185, %dma_wait3A_186] : memref<3x80x512xf32, #tpu.memory_space<vmem>> -> memref<1x80x512xf32, #tpu.memory_space<vmem>>
      %dma_wait3A_188 = tpu.memref_squeeze %dma_wait3A_187 : memref<1x80x512xf32, #tpu.memory_space<vmem>> -> memref<80x512xf32, #tpu.memory_space<vmem>>
      %dma_wait3A_189 = arith.constant 0 : i32
      %dma_wait3A_190 = arith.constant 0 : i32
      %dma_wait3A_191 = tpu.memref_slice %arg3[%dma_wait3A_189, %dma_wait3A_190] : memref<49408x512xf32, #tpu.memory_space<hbm>> -> memref<80x512xf32, #tpu.memory_space<hbm>>
      tpu.wait_dma2 semaphore(%arg9 : memref<!tpu.dma_semaphore, #tpu.memory_space<semaphore_mem>>) src(%dma_wait3A_191 : memref<80x512xf32, #tpu.memory_space<hbm>>) dst(%dma_wait3A_188 : memref<80x512xf32, #tpu.memory_space<vmem>>)
      %add3A_192 = arith.constant 31 : i32
      %add3A_193 = arith.addi %add3A_4, %add3A_192 : i32
      %dma_start3A_194 = arith.constant 1 : i32
      %dma_start3A_195 = arith.constant 0 : i32
      %dma_start3A_196 = arith.constant 0 : i32
      %dma_start3A_197 = tpu.memref_slice %arg7[%dma_start3A_194, %dma_start3A_195, %dma_start3A_196] : memref<3x80x512xf32, #tpu.memory_space<vmem>> -> memref<1x80x512xf32, #tpu.memory_space<vmem>>
      %dma_start3A_198 = tpu.memref_squeeze %dma_start3A_197 : memref<1x80x512xf32, #tpu.memory_space<vmem>> -> memref<80x512xf32, #tpu.memory_space<vmem>>
      %dma_start3A_199 = arith.constant 0 : i32
      %dma_start3A_200 = arith.constant 0 : i32
      %dma_start3A_201 = tpu.memref_slice %dma_start3A_198[%dma_start3A_199, %dma_start3A_200] : memref<80x512xf32, #tpu.memory_space<vmem>> -> memref<72x512xf32, #tpu.memory_space<vmem>>
      %dma_start3A_202 = arith.constant 0 : i32
      %dma_start3A_203 = arith.constant 0 : i32
      %dma_start3A_204 = tpu.memref_slice %arg4[%add3A_193, %dma_start3A_202, %dma_start3A_203] : memref<1000x77x512xf32, #tpu.memory_space<hbm>> -> memref<1x77x512xf32, #tpu.memory_space<hbm>>
      %dma_start3A_205 = tpu.memref_squeeze %dma_start3A_204 : memref<1x77x512xf32, #tpu.memory_space<hbm>> -> memref<77x512xf32, #tpu.memory_space<hbm>>
      %dma_start3A_206 = arith.constant 0 : i32
      %dma_start3A_207 = arith.constant 0 : i32
      %dma_start3A_208 = tpu.memref_slice %dma_start3A_205[%dma_start3A_206, %dma_start3A_207] : memref<77x512xf32, #tpu.memory_space<hbm>> -> memref<72x512xf32, #tpu.memory_space<hbm>>
      %dma_start3A_209 = arith.constant 0 : i32
      %dma_start3A_210 = arith.constant 0 : i32
      %dma_start3A_211 = tpu.memref_slice %arg4[%add3A_193, %dma_start3A_209, %dma_start3A_210] : memref<1000x77x512xf32, #tpu.memory_space<hbm>> -> memref<1x77x512xf32, #tpu.memory_space<hbm>>
      %dma_start3A_212 = tpu.memref_squeeze %dma_start3A_211 : memref<1x77x512xf32, #tpu.memory_space<hbm>> -> memref<77x512xf32, #tpu.memory_space<hbm>>
      %dma_start3A_213 = arith.constant 0 : i32
      %dma_start3A_214 = arith.constant 0 : i32
      %dma_start3A_215 = tpu.memref_slice %dma_start3A_212[%dma_start3A_213, %dma_start3A_214] : memref<77x512xf32, #tpu.memory_space<hbm>> -> memref<72x512xf32, #tpu.memory_space<hbm>>
      %dma_start3A_216 = arith.constant 0 : i32
      %dma_start3A_217 = arith.constant 0 : i32
      %dma_start3A_218 = tpu.memref_slice %arg7[%dma_start3A_194, %dma_start3A_216, %dma_start3A_217] : memref<3x80x512xf32, #tpu.memory_space<vmem>> -> memref<1x80x512xf32, #tpu.memory_space<vmem>>
      %dma_start3A_219 = tpu.memref_squeeze %dma_start3A_218 : memref<1x80x512xf32, #tpu.memory_space<vmem>> -> memref<80x512xf32, #tpu.memory_space<vmem>>
      %dma_start3A_220 = arith.constant 0 : i32
      %dma_start3A_221 = arith.constant 0 : i32
      %dma_start3A_222 = tpu.memref_slice %dma_start3A_219[%dma_start3A_220, %dma_start3A_221] : memref<80x512xf32, #tpu.memory_space<vmem>> -> memref<72x512xf32, #tpu.memory_space<vmem>>
      tpu.enqueue_dma source(%dma_start3A_222 : memref<72x512xf32, #tpu.memory_space<vmem>>) target(%dma_start3A_215 : memref<72x512xf32, #tpu.memory_space<hbm>>) target_semaphore(%arg9 : memref<!tpu.dma_semaphore, #tpu.memory_space<semaphore_mem>>)
      %mul3A_223 = arith.constant 8 : i32
      %mul3A_224 = arith.muli %add3A_193, %mul3A_223 : i32
      %dma_start3A_225 = arith.constant 1 : i32
      %dma_start3A_226 = arith.constant 0 : i32
      %dma_start3A_227 = arith.constant 0 : i32
      %dma_start3A_228 = tpu.memref_slice %arg7[%dma_start3A_225, %dma_start3A_226, %dma_start3A_227] : memref<3x80x512xf32, #tpu.memory_space<vmem>> -> memref<1x80x512xf32, #tpu.memory_space<vmem>>
      %dma_start3A_229 = tpu.memref_squeeze %dma_start3A_228 : memref<1x80x512xf32, #tpu.memory_space<vmem>> -> memref<80x512xf32, #tpu.memory_space<vmem>>
      %dma_start3A_230 = arith.constant 72 : i32
      %dma_start3A_231 = arith.constant 0 : i32
      %dma_start3A_232 = tpu.memref_slice %dma_start3A_229[%dma_start3A_230, %dma_start3A_231] : memref<80x512xf32, #tpu.memory_space<vmem>> -> memref<8x512xf32, #tpu.memory_space<vmem>>
      %dma_start3A_233 = arith.constant 0 : i32
      %dma_start3A_234 = tpu.memref_slice %arg5[%mul3A_224, %dma_start3A_233] : memref<8000x512xf32, #tpu.memory_space<hbm>> -> memref<8x512xf32, #tpu.memory_space<hbm>>
      %dma_start3A_235 = arith.constant 0 : i32
      %dma_start3A_236 = tpu.memref_slice %arg5[%mul3A_224, %dma_start3A_235] : memref<8000x512xf32, #tpu.memory_space<hbm>> -> memref<8x512xf32, #tpu.memory_space<hbm>>
      %dma_start3A_237 = arith.constant 0 : i32
      %dma_start3A_238 = arith.constant 0 : i32
      %dma_start3A_239 = tpu.memref_slice %arg7[%dma_start3A_225, %dma_start3A_237, %dma_start3A_238] : memref<3x80x512xf32, #tpu.memory_space<vmem>> -> memref<1x80x512xf32, #tpu.memory_space<vmem>>
      %dma_start3A_240 = tpu.memref_squeeze %dma_start3A_239 : memref<1x80x512xf32, #tpu.memory_space<vmem>> -> memref<80x512xf32, #tpu.memory_space<vmem>>
      %dma_start3A_241 = arith.constant 72 : i32
      %dma_start3A_242 = arith.constant 0 : i32
      %dma_start3A_243 = tpu.memref_slice %dma_start3A_240[%dma_start3A_241, %dma_start3A_242] : memref<80x512xf32, #tpu.memory_space<vmem>> -> memref<8x512xf32, #tpu.memory_space<vmem>>
      tpu.enqueue_dma source(%dma_start3A_243 : memref<8x512xf32, #tpu.memory_space<vmem>>) target(%dma_start3A_236 : memref<8x512xf32, #tpu.memory_space<hbm>>) target_semaphore(%arg9 : memref<!tpu.dma_semaphore, #tpu.memory_space<semaphore_mem>>)
    } else {
    }
    %dma_wait3A_107 = arith.constant 0 : i32
    %dma_wait3A_108 = arith.constant 0 : i32
    %dma_wait3A_109 = arith.constant 0 : i32
    %dma_wait3A_110 = tpu.memref_slice %arg7[%dma_wait3A_107, %dma_wait3A_108, %dma_wait3A_109] : memref<3x80x512xf32, #tpu.memory_space<vmem>> -> memref<1x80x512xf32, #tpu.memory_space<vmem>>
    %dma_wait3A_111 = tpu.memref_squeeze %dma_wait3A_110 : memref<1x80x512xf32, #tpu.memory_space<vmem>> -> memref<80x512xf32, #tpu.memory_space<vmem>>
    %dma_wait3A_112 = arith.constant 0 : i32
    %dma_wait3A_113 = arith.constant 0 : i32
    %dma_wait3A_114 = tpu.memref_slice %arg3[%dma_wait3A_112, %dma_wait3A_113] : memref<49408x512xf32, #tpu.memory_space<hbm>> -> memref<80x512xf32, #tpu.memory_space<hbm>>
    %dma_wait3A_115 = arith.constant 0 : i32
    %dma_wait3A_116 = arith.constant 0 : i32
    %dma_wait3A_117 = tpu.memref_slice %arg7[%dma_wait3A_107, %dma_wait3A_115, %dma_wait3A_116] : memref<3x80x512xf32, #tpu.memory_space<vmem>> -> memref<1x80x512xf32, #tpu.memory_space<vmem>>
    %dma_wait3A_118 = tpu.memref_squeeze %dma_wait3A_117 : memref<1x80x512xf32, #tpu.memory_space<vmem>> -> memref<80x512xf32, #tpu.memory_space<vmem>>
    %dma_wait3A_119 = arith.constant 0 : i32
    %dma_wait3A_120 = arith.constant 0 : i32
    %dma_wait3A_121 = tpu.memref_slice %arg3[%dma_wait3A_119, %dma_wait3A_120] : memref<49408x512xf32, #tpu.memory_space<hbm>> -> memref<80x512xf32, #tpu.memory_space<hbm>>
    tpu.wait_dma2 semaphore(%arg8 : memref<!tpu.dma_semaphore, #tpu.memory_space<semaphore_mem>>) src(%dma_wait3A_121 : memref<80x512xf32, #tpu.memory_space<hbm>>) dst(%dma_wait3A_118 : memref<80x512xf32, #tpu.memory_space<vmem>>)
    %dma_wait3A_122 = arith.constant 1 : i32
    %dma_wait3A_123 = arith.constant 0 : i32
    %dma_wait3A_124 = arith.constant 0 : i32
    %dma_wait3A_125 = tpu.memref_slice %arg7[%dma_wait3A_122, %dma_wait3A_123, %dma_wait3A_124] : memref<3x80x512xf32, #tpu.memory_space<vmem>> -> memref<1x80x512xf32, #tpu.memory_space<vmem>>
    %dma_wait3A_126 = tpu.memref_squeeze %dma_wait3A_125 : memref<1x80x512xf32, #tpu.memory_space<vmem>> -> memref<80x512xf32, #tpu.memory_space<vmem>>
    %dma_wait3A_127 = arith.constant 0 : i32
    %dma_wait3A_128 = arith.constant 0 : i32
    %dma_wait3A_129 = tpu.memref_slice %arg3[%dma_wait3A_127, %dma_wait3A_128] : memref<49408x512xf32, #tpu.memory_space<hbm>> -> memref<80x512xf32, #tpu.memory_space<hbm>>
    %dma_wait3A_130 = arith.constant 0 : i32
    %dma_wait3A_131 = arith.constant 0 : i32
    %dma_wait3A_132 = tpu.memref_slice %arg7[%dma_wait3A_122, %dma_wait3A_130, %dma_wait3A_131] : memref<3x80x512xf32, #tpu.memory_space<vmem>> -> memref<1x80x512xf32, #tpu.memory_space<vmem>>
    %dma_wait3A_133 = tpu.memref_squeeze %dma_wait3A_132 : memref<1x80x512xf32, #tpu.memory_space<vmem>> -> memref<80x512xf32, #tpu.memory_space<vmem>>
    %dma_wait3A_134 = arith.constant 0 : i32
    %dma_wait3A_135 = arith.constant 0 : i32
    %dma_wait3A_136 = tpu.memref_slice %arg3[%dma_wait3A_134, %dma_wait3A_135] : memref<49408x512xf32, #tpu.memory_space<hbm>> -> memref<80x512xf32, #tpu.memory_space<hbm>>
    tpu.wait_dma2 semaphore(%arg9 : memref<!tpu.dma_semaphore, #tpu.memory_space<semaphore_mem>>) src(%dma_wait3A_136 : memref<80x512xf32, #tpu.memory_space<hbm>>) dst(%dma_wait3A_133 : memref<80x512xf32, #tpu.memory_space<vmem>>)
    %dma_wait3A_137 = arith.constant 2 : i32
    %dma_wait3A_138 = arith.constant 0 : i32
    %dma_wait3A_139 = arith.constant 0 : i32
    %dma_wait3A_140 = tpu.memref_slice %arg7[%dma_wait3A_137, %dma_wait3A_138, %dma_wait3A_139] : memref<3x80x512xf32, #tpu.memory_space<vmem>> -> memref<1x80x512xf32, #tpu.memory_space<vmem>>
    %dma_wait3A_141 = tpu.memref_squeeze %dma_wait3A_140 : memref<1x80x512xf32, #tpu.memory_space<vmem>> -> memref<80x512xf32, #tpu.memory_space<vmem>>
    %dma_wait3A_142 = arith.constant 0 : i32
    %dma_wait3A_143 = arith.constant 0 : i32
    %dma_wait3A_144 = tpu.memref_slice %arg3[%dma_wait3A_142, %dma_wait3A_143] : memref<49408x512xf32, #tpu.memory_space<hbm>> -> memref<80x512xf32, #tpu.memory_space<hbm>>
    %dma_wait3A_145 = arith.constant 0 : i32
    %dma_wait3A_146 = arith.constant 0 : i32
    %dma_wait3A_147 = tpu.memref_slice %arg7[%dma_wait3A_137, %dma_wait3A_145, %dma_wait3A_146] : memref<3x80x512xf32, #tpu.memory_space<vmem>> -> memref<1x80x512xf32, #tpu.memory_space<vmem>>
    %dma_wait3A_148 = tpu.memref_squeeze %dma_wait3A_147 : memref<1x80x512xf32, #tpu.memory_space<vmem>> -> memref<80x512xf32, #tpu.memory_space<vmem>>
    %dma_wait3A_149 = arith.constant 0 : i32
    %dma_wait3A_150 = arith.constant 0 : i32
    %dma_wait3A_151 = tpu.memref_slice %arg3[%dma_wait3A_149, %dma_wait3A_150] : memref<49408x512xf32, #tpu.memory_space<hbm>> -> memref<80x512xf32, #tpu.memory_space<hbm>>
    tpu.wait_dma2 semaphore(%arg10 : memref<!tpu.dma_semaphore, #tpu.memory_space<semaphore_mem>>) src(%dma_wait3A_151 : memref<80x512xf32, #tpu.memory_space<hbm>>) dst(%dma_wait3A_148 : memref<80x512xf32, #tpu.memory_space<vmem>>)
    return
  }
}

module attributes {stable_mosaic.version = 14 : i64} {
  func.func @_patch_body(%arg0: i32, %arg1: memref<1000x77x512xf32, #tpu.memory_space<hbm>>, %arg2: memref<1000x512xf32, #tpu.memory_space<vmem>>, %arg3: memref<125x8x512xf32, #tpu.memory_space<vmem>>) attributes {dimension_semantics = [#tpu.dimension_semantics<arbitrary>], iteration_bounds = array<i64: 8>, scalar_prefetch = 0 : i64, scratch_operands = 0 : i64, tpu.core_type = #tpu.core_type<tc>, window_params = [{}, {transform_indices = @transform_1, window_bounds = array<i64: 1000, 512>}, {transform_indices = @transform_2, window_bounds = array<i64: 125, 8, 512>}]} {
    %get3A = arith.constant 0 : index
    %get3A_0 = arith.constant 0 : index
    %get3A_1 = vector.load %arg2[%get3A, %get3A_0] : memref<1000x512xf32, #tpu.memory_space<vmem>>, vector<1000x512xf32>
    %reshape3A = vector.shape_cast %get3A_1 : vector<1000x512xf32> to vector<125x8x512xf32>
    %swap3A = arith.constant 0 : index
    %swap3A_2 = arith.constant 0 : index
    %swap3A_3 = arith.constant 0 : index
    %swap3A_4 = vector.load %arg3[%swap3A, %swap3A_2, %swap3A_3] : memref<125x8x512xf32, #tpu.memory_space<vmem>>, vector<125x8x512xf32>
    tpu.vector_store %arg3[%swap3A, %swap3A_2, %swap3A_3], %reshape3A {strides = array<i32>} : memref<125x8x512xf32, #tpu.memory_space<vmem>>, vector<125x8x512xf32>,
    return
  }
  func.func @transform_1(%arg0: i32) -> (i32, i32) {
    %c0_i32 = arith.constant 0 : i32
    %c0_i32_0 = arith.constant 0 : i32
    return %arg0, %c0_i32 : i32, i32
  }
  func.func @transform_2(%arg0: i32) -> (i32, i32, i32) {
    %c9_i32 = arith.constant 9 : i32
    %c0_i32 = arith.constant 0 : i32
    %c0_i32_0 = arith.constant 0 : i32
    return %arg0, %c9_i32, %c0_i32 : i32, i32, i32
  }
}

</mosaic_0001>

<sc_bundles>
// kernel: kernel.4.cloned.1.call-start
scs
__scs_entry_jumppad:
0x0: {  	(pc) =	sbr.rel $0x88, $3  }
0x1: {  	(tag) =	ssettag $0x0;
	lr =	simm.s32 $0x1  }
0x2: {  	[smem:$0x3F9F] =	sst lr;
	_ =	strace $0xD0000000  }
0x3: {  	_ = 	snop  }
0x4: {  	_ = 	snop  }
0x5: {  	_ = 	snop  }
0x6: {  	_ = 	snop  }
0x7: {  	_ = 	snop  }
__scs_overlays_trampoline_lowered:
0x8: {  	[smem:$0x3FAE] =	sst s0  }
0x9: {  	[smem:$0x3FAF] =	sst s1  }
0xa: {  	[smem:$0x3FB0] =	sst s2  }
0xb: {  	[smem:$0x3FB1] =	sst s3  }
0xc: {  	[smem:$0x3FB2] =	sst s4  }
0xd: {  	[smem:$0x3FB3] =	sst s5  }
0xe: {  	[smem:$0x3FB4] =	sst s6  }
0xf: {  	[smem:$0x3FB5] =	sst s7  }
0x10: {  	[smem:$0x3FB6] =	sst s8  }
0x11: {  	[smem:$0x3FB7] =	sst s9;
	s0 =	simm.s32 @!p0 $0x0  }
0x12: {  	s1 =	sld [smem:$0x3F9D];
	s0 =	simm.s32 @p0 $0x1  }
0x13: {  	[smem:$0x3FB8] =	sst s0;
	s0 =	simm.s32 @!p1 $0x0  }
0x14: {  	s2 =	sld [smem:$0x3F9C];
	s0 =	simm.s32 @p1 $0x1  }
0x15: {  	[smem:$0x3FB9] =	sst s0;
	s0 =	simm.s32 @!p2 $0x0  }
0x16: {  	s3 =	sld [smem:$0x3FDB];
	s0 =	simm.s32 @p2 $0x1  }
0x17: {  	s4 =	simm.s32 $0x1BF5;
	[smem:$0x3FBB] =	sst s0  }
0x18: {  	s0 =	sld [smem:$0x3F9E];
	_ =	swait.ge [sflag:s4], $0x0  }
0x19: {  	s7 =	sld [smem:$0x3F9F]  }
0x1a: {  	s8 =	sadd.s32 $0xFFFFE003, lr  }
0x1b: {  	s9 =	sadd.s32 $0xFFFFFEF7, lr;
	s5 =	simm.s32 $0xFFFFFFFF;
	p2 =	slt.u32 s8, $0xFFFFF086  }
0x1c: {  	p1 =	slt.u32 s9, $0xF7A;
	s5 =	simm.s32 @!p2 $0x0  }
0x1d: {  	s5 =	simm.s32 @p1 $0x1;
	p0 =	seq.s32 s7, s2  }
0x1e: {  	s7 =	smul.u32 @!p0 $0xF7A, s2;
	p2 =	seq.s32 @!p0 s5, $0x0  }
0x1f: {  	s9 =	smul.u32 $0xF7A, s1;
	s8 =	simm.s32 @!p0 $0x1BF5;
	p2 =	por !p2, p0  }
0x20: {  	[sflag:s8] =	ssyncset.s32 @!p0 $0xFFFFF086;
	s6 =	sadd.s32 @!p0 s3, s7;
	s7 =	simm.s32 @!p0 $0x108  }
0x21: {  	s3 =	sadd.s32 s3, s9;
	s6 =	sadd.s32 @!p0 $0x88, s6;
	s7 =	simm.s32 @p2 $0x1082  }
0x22: {  	[simem:s7], [sflag:s8] =	dma.local @!p0 [hbm:s6], $0xF7A  }
0x23: {  	s9 =	sor.u32 $0xD0000000, s2;
	s6 =	simm.s32 $0x108;
	_ =	swait.ge @!p0 [sflag:s8], $0x0  }
0x24: {  	s3 =	sadd.s32 $0x88, s3;
	s6 =	simm.s32 @!p1 $0x1082;
	[sflag:s4] =	ssyncset.s32 $0xFFFFF086  }
0x25: {  	[simem:s6], [sflag:s4] =	dma.local [hbm:s3], $0xF7A  }
0x26: {  	[smem:$0x3F9F] =	sst s1;
	(tag) =	ssettag s2;
	_ =	strace s9  }
0x27: {  	s1 =	sld [smem:$0x3FAF]  }
0x28: {  	s2 =	sld [smem:$0x3FB0]  }
0x29: {  	s4 =	sld [smem:$0x3FB2]  }
0x2a: {  	p0 =	seq.s32 s5, $0x0;
	s5 =	sld [smem:$0x3FB3]  }
0x2b: {  	s6 =	sld [smem:$0x3FB4]  }
0x2c: {  	s7 =	sld [smem:$0x3FB5]  }
0x2d: {  	s3 =	simm.s32 $0x108;
	s8 =	sld [smem:$0x3FB6]  }
0x2e: {  	s3 =	simm.s32 @!p0 $0x1082;
	s9 =	sld [smem:$0x3FB7]  }
0x2f: {  	lr =	sadd.s32 s0, s3;
	s0 =	sld [smem:$0x3FAE]  }
0x30: {  	s3 =	sld [smem:$0x3FB1]  }
0x31: {  	[smem:$0x3FBA] =	sst s10  }
0x32: {  	s10 =	sld [smem:$0x3FB8];
	_ =	sdelay $0x3  }
0x33: {  	p0 =	seq.s32 s10, $0x1;
	s10 =	sld [smem:$0x3FBA];
	_ =	sdelay $0x3  }
0x34: {  	[smem:$0x3FBA] =	sst s10  }
0x35: {  	s10 =	sld [smem:$0x3FB9];
	_ =	sdelay $0x3  }
0x36: {  	p1 =	seq.s32 s10, $0x1;
	s10 =	sld [smem:$0x3FBA];
	_ =	sdelay $0x3  }
0x37: {  	[smem:$0x3FBA] =	sst s10  }
0x38: {  	s10 =	sld [smem:$0x3FBB]  }
0x39: {  	_ = 	snop;
	(pc) =	sbr.ind lr, $3  }
0x3a: {  	_ = 	snop  }
0x3b: {  	_ = 	snop  }
0x3c: {  	p2 =	seq.s32 s10, $0x1;
	s10 =	sld [smem:$0x3FBA]  }
0x3d: {  	_ =	shalt  }
0x3e: {  	_ =	shalt  }
0x3f: {  	_ =	shalt  }
0x40: {  	_ =	shalt  }
0x41: {  	_ =	shalt  }
0x42: {  	_ =	shalt  }
0x43: {  	_ =	shalt  }
0x44: {  	_ =	shalt  }
0x45: {  	_ =	shalt  }
0x46: {  	_ =	shalt  }
0x47: {  	_ =	shalt  }
0x48: {  	_ =	shalt  }
0x49: {  	_ =	shalt  }
0x4a: {  	_ =	shalt  }
0x4b: {  	_ =	shalt  }
0x4c: {  	_ =	shalt  }
0x4d: {  	_ =	shalt  }
0x4e: {  	_ =	shalt  }
0x4f: {  	_ =	shalt  }
0x50: {  	_ =	shalt  }
0x51: {  	_ =	shalt  }
0x52: {  	_ =	shalt  }
0x53: {  	_ =	shalt  }
0x54: {  	_ =	shalt  }
0x55: {  	_ =	shalt  }
0x56: {  	_ =	shalt  }
0x57: {  	_ =	shalt  }
0x58: {  	_ =	shalt  }
0x59: {  	_ =	shalt  }
0x5a: {  	_ =	shalt  }
0x5b: {  	_ =	shalt  }
0x5c: {  	_ =	shalt  }
0x5d: {  	_ =	shalt  }
0x5e: {  	_ =	shalt  }
0x5f: {  	_ =	shalt  }
0x60: {  	_ =	shalt  }
0x61: {  	_ =	shalt  }
0x62: {  	_ =	shalt  }
0x63: {  	_ =	shalt  }
0x64: {  	_ =	shalt  }
0x65: {  	_ =	shalt  }
0x66: {  	_ =	shalt  }
0x67: {  	_ =	shalt  }
0x68: {  	_ =	shalt  }
0x69: {  	_ =	shalt  }
0x6a: {  	_ =	shalt  }
0x6b: {  	_ =	shalt  }
0x6c: {  	_ =	shalt  }
0x6d: {  	_ =	shalt  }
0x6e: {  	_ =	shalt  }
0x6f: {  	_ =	shalt  }
0x70: {  	_ =	shalt  }
0x71: {  	_ =	shalt  }
0x72: {  	_ =	shalt  }
0x73: {  	_ =	shalt  }
0x74: {  	_ =	shalt  }
0x75: {  	_ =	shalt  }
0x76: {  	_ =	shalt  }
0x77: {  	_ =	shalt  }
0x78: {  	_ =	shalt  }
0x79: {  	_ =	shalt  }
0x7a: {  	_ =	shalt  }
0x7b: {  	_ =	shalt  }
0x7c: {  	_ =	shalt  }
0x7d: {  	_ =	shalt  }
0x7e: {  	_ =	shalt  }
0x7f: {  	_ =	shalt  }
0x80: {  	_ =	shalt  }
0x81: {  	_ =	shalt  }
0x82: {  	_ =	shalt  }
0x83: {  	_ =	shalt  }
0x84: {  	_ =	shalt  }
0x85: {  	_ =	shalt  }
0x86: {  	_ =	shalt  }
0x87: {  	_ =	shalt  }
.Lfunc_end0:
.L_simem_size_0:
called_computation_lowered:
.L_overlay_start_0:
0x88: {  	s2 =	sld [smem:$0x3FD9]  }
0x89: {  	s3 =	sld [smem:$0x3FFE];
	_ =	sdelay $0x1  }
0x8a: {  	s1 =	srdreg.scid  }
0x8b: {  	s0 =	sand.u32 $0x1, s1  }
0x8c: {  	s17 =	sshll.u32 s0, $0xA;
	s2 =	sadd.s32 s3, s2  }
0x8d: {  	s2 =	sadd.s32 s2, s17  }
0x8e: {  	[smem:$0x3FC6] =	sst s2  }
0x8f: {  	_ = 	snop  }
0x90: {  	s2 =	sld [smem:$0x3FC8]  }
0x91: {  	s18 =	sld [smem:$0x3FD0];
	(tm) =	ssettm $0x1  }
0x92: {  	s4 =	sld [smem:$0x3FFB];
	_ =	sdelay $0x3  }
0x93: {  	_ =	strace s4  }
0x94: {  	s4 =	sld [smem:$0x3FFC];
	_ =	sdelay $0x3  }
0x95: {  	_ =	strace s4  }
0x96: {  	s4 =	sld [smem:$0x3FFD];
	_ =	sdelay $0x3  }
0x97: {  	_ =	strace s4  }
0x98: {  	_ =	strace $0x8FFFFFFF  }
0x99: {  	s19 =	sld [smem:$0x3FDB];
	_ =	sdelay $0x1  }
0x9a: {  	s5 =	simm.s32 $_scs_section_size  }
0x9b: {  	s6 =	simm.s32 $_size__tile_overlayer_lowered;
	s7 =	simm.s32 $_tile_overlayer_lowered  }
0x9c: {  	s22 =	simm.s32 $0x1BFF;
	s21 =	sshll.u32 s7, $0x1;
	s4 =	sadd.s32 s5, s19  }
0x9d: {  	s8 =	simm.s32 $0x0;
	s20 =	sshll.u32 s6, $0x1;
	s6 =	sadd.s32 s21, s4  }
0x9e: {  	[timem:s8], [sflag:s22] =	dma.local [hbm:s6], s20  }
0x9f: {  	_ =	swait.ge [sflag:s22], s20  }
0xa0: {  	s5 =	ssub.s32 $0x0, s20;
	[sflag:s22] =	ssyncset.done $0x0  }
0xa1: {  	[sflag:s22] =	ssyncadd.s32 s5;
	_ =	sdelay $0x1  }
0xa2: {  	s23 =	simm.s32 $0x1B8B  }
0xa3: {  	_ =	swait.ge [sflag:s23], $0x1  }
0xa4: {  	[sflag:s23] =	ssyncset.done $0x0  }
0xa5: {  	s25 =	simm.s32 $0x1B8E;
	s24 =	sld [smem:$0x3FFE];
	[sflag:s23] =	ssyncadd.s32 $0xFFFFFFFF  }
0xa6: {  	s26 =	simm.s32 $execute0_lowered;
	[smem:$0x3FD2] =	sst s25  }
0xa7: {  	s6 =	sshll.u32 s26, $0x1;
	_ =	strace $0x80000046;
	[dreg:$0x1] =	wrdreg $0xFFFFFFFF  }
0xa8: {  	s28 =	simm.s32 $_size_execute0_lowered;
	s4 =	sadd.s32 s4, s6;
	[dreg:$0x0] =	wrdreg $0x0  }
0xa9: {  	s6 =	sshll.u32 s28, $0x1;
	[dreg:$0x2] =	wrdreg s4  }
0xaa: {  	[dreg:$0x3] =	wrdreg s6  }
0xab: {  	[dreg:$0x4] =	wrdreg $0xC0  }
0xac: {  	_ =	task [dreg:s8], $0x5FFFF  }
0xad: {  	[dreg:$0x1] =	wrdreg $0xFFFFFFFF  }
0xae: {  	[dreg:$0x0] =	wrdreg $0x60  }
0xaf: {  	[dreg:$0x2] =	wrdreg s24  }
0xb0: {  	[dreg:$0x3] =	wrdreg s2  }
0xb1: {  	[dreg:$0x4] =	wrdreg s18  }
0xb2: {  	[dreg:$0x5] =	wrdreg $0x9  }
0xb3: {  	_ =	task.clear_ibuf [dreg:s8], $0x6FFFF;
	_ =	strace $0x90000046  }
0xb4: {  	s29 =	simm.s32 $0x9;
	_ =	strace $0x80000048  }
0xb5: {  	_ =	swait.ge [sflag:s29], $0x1  }
0xb6: {  	[sflag:s29] =	ssyncadd.s32 $0xFFFFFFFF  }
0xb7: {  	_ =	strace $0x90000048  }
0xb8: {  	_ =	sfence  }
0xb9: {  	s30 =	sld [smem:$0x0];
	_ =	sdelay $0x2  }
0xba: {  	s31 =	sshll.u32 s1, $0xD;
	s1 =	sshrl.u32 s1, $0x2  }
0xbb: {  	s3 =	sand.u32 $0x4000, s31;
	s1 =	sadd.s32 s1, s30  }
0xbc: {  	s0 =	sor.u32 s3, s0;
	s1 =	sshll.u32 s1, $0x11  }
0xbd: {  	s0 =	sor.u32 s1, s0  }
0xbe: {  	s0 =	sadd.s32 $0x8F2B, s0  }
0xbf: {  	[sflag:s0] =	ssyncadd.remote.s32 $0x1  }
0xc0: {  	_ =	sfence.sel $0xFFFF  }
0xc1: {  	[dreg:$0x0] =	wrdreg $0xFFFFFFFF;
	(pc) =	sbr.abs _section_cstart, $3  }
0xc2: {  	[dreg:$0x1] =	wrdreg $0xFFFFFFFF  }
0xc3: {  	_ =	task.clear_ibuf [dreg:s8], $0x2FFFF;
	_ =	strace $0x9FFFFFFF  }
0xc4: {  	(tm) =	ssettm $0x7FFFFFFF  }
0xc5: {  	_ =	shalt  }
tec
execute0_lowered:
.L_overlay_start_1:
0x0: {  	(tag) =	ssettag $0x1  }
0x1: {  	s0 =	srdreg.scid;
	s1 =	rddreg [dreg:$0x0]  }
0x2: {  	s13 =	stileid.u32;
	s2 =	rddreg [dreg:$0x1]  }
0x3: {  	s16 =	rddreg [dreg:$0x2];
	s3 =	simm.s32 $0x0;
	s28 =	simm.s32 $0x13A00  }
0x4: {  	s30 =	simm.s32 $0x14A00;
	s31 =	simm.s32 $0x1;
	s29 =	simm.s32 $0x0  }
0x5: {  	s4 =	sand.u32 $0x1, s0;
	s15 =	sshll.u32 s13, $0x1;
	[smem:$0x7FF] =	sst s3  }
0x6: {  	s8 =	sadd.s32 $0xA00, s1;
	s1 =	sadd.s32 $0x3200, s1;
	s20 =	smul.u32 $0x3E, s13  }
0x7: {  	s21 =	smul.u32 $0x4D800, s13;
	p0 =	sgt.u32 s13, $0x3;
	s5 =	sor.u32 s4, s15  }
0x8: {  	_ =	strace $0x80000047;
	s9 =	ssub.s32 $0x2, s4;
	s12 =	smul.u32 $0x1F, s4  }
0x9: {  	s15 =	simm.s32 $0x18200;
	s6 =	smul.u32 $0x1F, s5;
	s11 =	sshrl.u32 s9, $0x1  }
0xa: {  	s5 =	smin.u32 s5, $0x8;
	[dreg:$0xb] =	wrdreg s15;
	s9 =	ssub.s32 s9, s11  }
0xb: {  	s23 =	smul.u32 $0x1400, s5;
	s24 =	sadd.s32 s12, s20;
	s12 =	simm.s32 $0x17200  }
0xc: {  	s20 =	simm.s32 $0x1AA00;
	s6 =	sadd.s32 s5, s6;
	[dreg:$0x9] =	wrdreg s12  }
0xd: {  	s25 =	smax.u32 s9, $0x1;
	s26 =	sadd.s32 s5, s24;
	[dreg:$0x10] =	wrdreg s20  }
0xe: {  	s5 =	simm.s32 $0x15200;
	s9 =	simm.s32 $0x16200;
	[dreg:$0x1d] =	wrdreg s25  }
0xf: {  	s24 =	simm.s32 $0x1CA00;
	s7 =	smul.u32 $0x50, s6;
	[dreg:$0x5] =	wrdreg s5  }
0x10: {  	s10 =	smul.u32 $0xA, s6;
	s18 =	sshll.u32 s6, $0x9;
	[dreg:$0x7] =	wrdreg s9  }
0x11: {  	[dreg:$0x14] =	wrdreg s24;
	s25 =	simm.s32 $0x1D200;
	s19 =	sadd.s32 $0x3C00, s18  }
0x12: {  	s22 =	sadd.s32 $0x3E00, s18;
	s18 =	simm.s32 $0x19A00;
	[dreg:$0x15] =	wrdreg s25  }
0x13: {  	s7 =	sshrl.u32 s7, $0x3;
	s10 =	sadd.s32 s8, s10;
	[dreg:$0xe] =	wrdreg s18  }
0x14: {  	[dreg:$0x17] =	wrdreg s10;
	s7 =	sadd.s32 s8, s7;
	s8 =	simm.s32 $0x15A00  }
0x15: {  	s10 =	sand.u32 $0x1FFFFE00, s19;
	s19 =	simm.s32 $0x1A200;
	[dreg:$0x6] =	wrdreg s8  }
0x16: {  	s4 =	smul.u32 $0x26C00, s4;
	s7 =	sadd.s32 $0x136, s7;
	[dreg:$0xf] =	wrdreg s19  }
0x17: {  	s17 =	smul.u32 $0x1400, s6;
	s10 =	sadd.s32 s16, s10;
	[dreg:$0x18] =	wrdreg s7  }
0x18: {  	s6 =	sadd.s32 $0x100, s2;
	[dreg:$0x1a] =	wrdreg s10;
	s10 =	simm.s32 $0x16A00  }
0x19: {  	s7 =	sadd.s32 s1, s17;
	s17 =	simm.s32 $0x19200;
	[dreg:$0x8] =	wrdreg s10  }
0x1a: {  	s1 =	sadd.s32 s21, s1;
	s21 =	simm.s32 $0x1B200;
	[dreg:$0xd] =	wrdreg s17  }
0x1b: {  	s8 =	simm.s32 $0x2;
	s14 =	sadd.s32 $0x25800, s7;
	[dreg:$0x11] =	wrdreg s21  }
0x1c: {  	s7 =	sadd.s32 $0x26C00, s7;
	s1 =	sadd.s32 s4, s1;
	[dreg:$0x19] =	wrdreg s14  }
0x1d: {  	s4 =	sshll.u32 s26, $0x9;
	s26 =	simm.s32 $0x1E200;
	[dreg:$0x1b] =	wrdreg s7  }
0x1e: {  	s10 =	simm.s32 $0x9A00;
	s1 =	sadd.s32 s23, s1;
	[dreg:$0x16] =	wrdreg s26  }
0x1f: {  	s7 =	sand.u32 $0x1FFFFE00, s22;
	s14 =	simm.s32 $0x17A00;
	[dreg:$0x4] =	wrdreg s1  }
0x20: {  	s11 =	sadd.s32 $0x400, s4;
	s7 =	sadd.s32 s16, s7;
	[dreg:$0xa] =	wrdreg s14  }
0x21: {  	s0 =	sadd.s32 s4, s16;
	[dreg:$0x1c] =	wrdreg s7;
	s7 =	sadd.s32 $0x200, s4  }
0x22: {  	s22 =	simm.s32 $0x1BA00;
	[smem:$0x7FD] =	sst s0;
	s5 =	sand.u32 $0xFFE00, s7  }
.Ltmp0:
0x23: {  	[dreg:$0x12] =	wrdreg s22;
	s5 =	sadd.s32 s5, s16;
	(pc) =	sbr.rel .LBB2_1-.Ltmp0, $4  }
0x24: {  	s23 =	simm.s32 $0x1C200;
	[dreg:$0x1e] =	wrdreg s5;
	s5 =	sand.u32 $0xFFE00, s11  }
0x25: {  	v2 =	vlaneseq.u32;
	[dreg:$0x13] =	wrdreg s23;
	s1 =	simm.s32 $0x3;
	s5 =	sadd.s32 s5, s16  }
0x26: {  	vm0 =	vmmov $0xffff;
	v1 =	vshrl.u32 v2, $0x3;
	s7 =	simm.s32 $0x1DA00;
	s16 =	simm.s32 $0x18A00;
	[dreg:$0x1f] =	wrdreg s5  }
0x27: {  	v0 =	vand.u32 $0x7, v2;
	v2 =	vor.u32 $0x8, v2;
	v1 =	vmul.u32 $0x8, v1;
	[dreg:$0xc] =	wrdreg s16;
	s16 =	simm.s32 $0xA00;
	s5 =	simm.s32 $0xAA00  }
.LBB2_5:
0x28: {  	_ =	swait.ge [sflag:s31], $0xA000  }
0x29: {  	[sflag:s31] =	ssyncset.done $0x0  }
0x2a: {  	[sflag:s31] =	ssyncadd.s32 $0xFFFF6000  }
0x2b: {  	_ =	swait.ge [sflag:s8], $0xA000  }
0x2c: {  	[sflag:s8] =	ssyncset.done $0x0  }
0x2d: {  	[sflag:s8] =	ssyncadd.s32 $0xFFFF6000  }
0x2e: {  	_ =	swait.ge [sflag:s1], $0xA000  }
0x2f: {  	s29 =	sadd.s32 $0x1, s29;
	s0 =	rddreg [dreg:$0x1d]  }
0x30: {  	p1 =	sne.s32 s29, s0  }
.Ltmp1:
0x31: {  	_ = 	snop;
	(pc) =	sbr.rel @!p1 .LBB2_6-.Ltmp1, $3  }
0x32: {  	_ =	sdelay $0x1  }
0x33: {  	[sflag:s1] =	ssyncset.done $0x0  }
0x34: {  	[sflag:s1] =	ssyncadd.s32 $0xFFFF6000  }
.LBB2_1:
0x35: {  	[smem:$0x7FC] =	sst s29  }
0x36: {  	s0 =	rddreg [dreg:$0x17];
	s26 =	simm.s32 $0x4  }
0x37: {  	s9 =	simm.s32 @!p0 $0x9B0;
	s29 =	simm.s32 $0xB200;
	s18 =	simm.s32 $0x14200  }
0x38: {  	[tilespmem:s3], [sflag:$0x4] =	stream.linear.gather [hbm4b:s0+s3], $0x9B0, $0x38;
	[tilespmem:$0x1EA00] =	vst v63  }
0x39: {  	s19 =	simm.s32 $0x12A00;
	s24 =	simm.s32 $0xCA00;
	_ =	swait.ge [sflag:s26], $0x9B0  }
0x3a: {  	s11 =	simm.s32 $0x70;
	s20 =	simm.s32 $0x12200;
	[sflag:s26] =	ssyncset.done $0x0  }
0x3b: {  	s0 =	simm.s32 @!p0 $0x0;
	s4 =	rddreg [dreg:$0x18];
	[sflag:s26] =	ssyncadd.s32 $0xFFFFF650  }
0x3c: {  	[tilespmem:s9], [sflag:$0x4] =	stream.linear.gather @!p0 [hbm4b:s4+s0], $0x50, $0x38;
	[tilespmem:$0x1EA00] =	vst v63  }
0x3d: {  	s23 =	simm.s32 $0xD200;
	s15 =	simm.s32 $0x11A00;
	s0 =	simm.s32 @!p0 $0x4  }
0x3e: {  	s22 =	simm.s32 $0xDA00;
	s13 =	simm.s32 $0x0;
	_ =	swait.ge @!p0 [sflag:s0], $0x50  }
0x3f: {  	s17 =	simm.s32 $0x13200;
	s25 =	simm.s32 $0x11200;
	s12 =	rddreg [dreg:$0x1f]  }
0x40: {  	s21 =	simm.s32 $0xE200;
	[sflag:s0] =	ssyncset.done @!p0 $0x0;
	s9 =	rddreg [dreg:$0x1e]  }
0x41: {  	s26 =	simm.s32 $0xBA00;
	[sflag:s0] =	ssyncadd.s32 @!p0 $0xFFFFFFB0;
	s0 =	sld [smem:$0x7FD]  }
.LBB2_2:
0x42: {  	p1 =	seq.s32 s13, $0x0  }
0x43: {  	s14 =	simm.s32 @!p1 $0x1  }
0x44: {  	_ =	swait.ge @!p1 [sflag:s14], $0xA000  }
0x45: {  	[sflag:s14] =	ssyncset.done @!p1 $0x0  }
0x46: {  	[sflag:s14] =	ssyncadd.s32 @!p1 $0xFFFF6000  }
0x47: {  	v3 =	vld [tilespmem:s11+$0xFFFFFF90];
	_ =	sdelay $0x4  }
0x48: {  	v4 =	vshll.u32 v3, $0x2  }
0x49: {  	v3 =	vand.u32 $0x7, v3;
	v4 =	vand.u32 $0xFFFFFFE0, v4  }
0x4a: {  	v3 =	vor.u32 v3, v4  }
0x4b: {  	v4 =	vperm.xlane v3, v0;
	_ =	sdelay $0x1  }
0x4c: {  	v4 =	vadd.s32 v1, v4;
	_ =	sdelay $0x1  }
0x4d: {  	v3 =	vperm.xlane v3, v2;
	_ =	sdelay $0x1  }
0x4e: {  	v3 =	vadd.s32 v1, v3  }
0x4f: {  	[tilespmem:s16], [sflag:$0x1] =	stream.indirect_vreg.gather [hbm4b:s2+s3], $0x80, v4, vm0, $0xb8;
	[tilespmem:$0x1EA00] =	vst v63  }
0x50: {  	s4 =	simm.s32 $0x1200  }
0x51: {  	[tilespmem:s4], [sflag:$0x1] =	stream.indirect_vreg.gather [hbm4b:s6+s3], $0x80, v4, vm0, $0xb8;
	[tilespmem:$0x1EA00] =	vst v63  }
0x52: {  	s14 =	simm.s32 $0x1A00  }
0x53: {  	[tilespmem:s14], [sflag:$0x1] =	stream.indirect_vreg.gather [hbm4b:s2+s3], $0x80, v3, vm0, $0xb8;
	[tilespmem:$0x1EA00] =	vst v63  }
0x54: {  	s14 =	simm.s32 $0x2200  }
0x55: {  	[tilespmem:s14], [sflag:$0x1] =	stream.indirect_vreg.gather [hbm4b:s6+s3], $0x80, v3, vm0, $0xb8;
	[tilespmem:$0x1EA00] =	vst v63  }
0x56: {  	v3 =	vld [tilespmem:s11+$0xFFFFFFA0];
	_ =	sdelay $0x4  }
0x57: {  	v50 =	vshll.u32 v3, $0x2  }
0x58: {  	v3 =	vand.u32 $0x7, v3;
	v4 =	vand.u32 $0xFFFFFFE0, v50  }
0x59: {  	v3 =	vor.u32 v3, v4  }
0x5a: {  	v4 =	vperm.xlane v3, v0;
	_ =	sdelay $0x1  }
0x5b: {  	v4 =	vadd.s32 v1, v4;
	_ =	sdelay $0x1  }
0x5c: {  	v3 =	vperm.xlane v3, v2;
	_ =	sdelay $0x1  }
0x5d: {  	s14 =	simm.s32 $0x2A00;
	v3 =	vadd.s32 v1, v3  }
0x5e: {  	[tilespmem:s14], [sflag:$0x1] =	stream.indirect_vreg.gather [hbm4b:s2+s3], $0x80, v4, vm0, $0xb8;
	[tilespmem:$0x1EA00] =	vst v63  }
0x5f: {  	s14 =	simm.s32 $0x3200  }
0x60: {  	[tilespmem:s14], [sflag:$0x1] =	stream.indirect_vreg.gather [hbm4b:s6+s3], $0x80, v4, vm0, $0xb8;
	[tilespmem:$0x1EA00] =	vst v63  }
0x61: {  	s14 =	simm.s32 $0x3A00  }
0x62: {  	[tilespmem:s14], [sflag:$0x1] =	stream.indirect_vreg.gather [hbm4b:s2+s3], $0x80, v3, vm0, $0xb8;
	[tilespmem:$0x1EA00] =	vst v63  }
0x63: {  	s14 =	simm.s32 $0x4200  }
0x64: {  	[tilespmem:s14], [sflag:$0x1] =	stream.indirect_vreg.gather [hbm4b:s6+s3], $0x80, v3, vm0, $0xb8;
	[tilespmem:$0x1EA00] =	vst v63  }
0x65: {  	v3 =	vld [tilespmem:s11+$0xFFFFFFB0];
	_ =	sdelay $0x4  }
0x66: {  	v51 =	vshll.u32 v3, $0x2  }
0x67: {  	v3 =	vand.u32 $0x7, v3;
	v4 =	vand.u32 $0xFFFFFFE0, v51  }
0x68: {  	v3 =	vor.u32 v3, v4  }
0x69: {  	v4 =	vperm.xlane v3, v0;
	_ =	sdelay $0x1  }
0x6a: {  	v4 =	vadd.s32 v1, v4;
	_ =	sdelay $0x1  }
0x6b: {  	v3 =	vperm.xlane v3, v2;
	_ =	sdelay $0x1  }
0x6c: {  	s14 =	simm.s32 $0x4A00;
	v3 =	vadd.s32 v1, v3  }
0x6d: {  	[tilespmem:s14], [sflag:$0x1] =	stream.indirect_vreg.gather [hbm4b:s2+s3], $0x80, v4, vm0, $0xb8;
	[tilespmem:$0x1EA00] =	vst v63  }
0x6e: {  	s14 =	simm.s32 $0x5200  }
0x6f: {  	[tilespmem:s14], [sflag:$0x1] =	stream.indirect_vreg.gather [hbm4b:s6+s3], $0x80, v4, vm0, $0xb8;
	[tilespmem:$0x1EA00] =	vst v63  }
0x70: {  	s14 =	simm.s32 $0x5A00  }
0x71: {  	[tilespmem:s14], [sflag:$0x1] =	stream.indirect_vreg.gather [hbm4b:s2+s3], $0x80, v3, vm0, $0xb8;
	[tilespmem:$0x1EA00] =	vst v63  }
0x72: {  	s14 =	simm.s32 $0x6200  }
0x73: {  	[tilespmem:s14], [sflag:$0x1] =	stream.indirect_vreg.gather [hbm4b:s6+s3], $0x80, v3, vm0, $0xb8;
	[tilespmem:$0x1EA00] =	vst v63  }
0x74: {  	v3 =	vld [tilespmem:s11+$0xFFFFFFC0];
	_ =	sdelay $0x4  }
0x75: {  	v52 =	vshll.u32 v3, $0x2  }
0x76: {  	v3 =	vand.u32 $0x7, v3;
	v4 =	vand.u32 $0xFFFFFFE0, v52  }
0x77: {  	v3 =	vor.u32 v3, v4  }
0x78: {  	v4 =	vperm.xlane v3, v0;
	_ =	sdelay $0x1  }
0x79: {  	v4 =	vadd.s32 v1, v4;
	_ =	sdelay $0x1  }
0x7a: {  	v3 =	vperm.xlane v3, v2;
	_ =	sdelay $0x1  }
0x7b: {  	s14 =	simm.s32 $0x6A00;
	v3 =	vadd.s32 v1, v3  }
0x7c: {  	[tilespmem:s14], [sflag:$0x1] =	stream.indirect_vreg.gather [hbm4b:s2+s3], $0x80, v4, vm0, $0xb8;
	[tilespmem:$0x1EA00] =	vst v63  }
0x7d: {  	s14 =	simm.s32 $0x7200  }
0x7e: {  	[tilespmem:s14], [sflag:$0x1] =	stream.indirect_vreg.gather [hbm4b:s6+s3], $0x80, v4, vm0, $0xb8;
	[tilespmem:$0x1EA00] =	vst v63  }
0x7f: {  	s14 =	simm.s32 $0x7A00  }
0x80: {  	[tilespmem:s14], [sflag:$0x1] =	stream.indirect_vreg.gather [hbm4b:s2+s3], $0x80, v3, vm0, $0xb8;
	[tilespmem:$0x1EA00] =	vst v63  }
0x81: {  	s14 =	simm.s32 $0x8200  }
0x82: {  	[tilespmem:s14], [sflag:$0x1] =	stream.indirect_vreg.gather [hbm4b:s6+s3], $0x80, v3, vm0, $0xb8;
	[tilespmem:$0x1EA00] =	vst v63  }
0x83: {  	v3 =	vld [tilespmem:s11+$0xFFFFFFD0];
	_ =	sdelay $0x4  }
0x84: {  	v53 =	vshll.u32 v3, $0x2  }
0x85: {  	v3 =	vand.u32 $0x7, v3;
	v4 =	vand.u32 $0xFFFFFFE0, v53  }
0x86: {  	v3 =	vor.u32 v3, v4  }
0x87: {  	v4 =	vperm.xlane v3, v0;
	_ =	sdelay $0x1  }
0x88: {  	v4 =	vadd.s32 v1, v4;
	_ =	sdelay $0x1  }
0x89: {  	v3 =	vperm.xlane v3, v2;
	_ =	sdelay $0x1  }
0x8a: {  	s14 =	simm.s32 $0x8A00;
	v3 =	vadd.s32 v1, v3  }
0x8b: {  	[tilespmem:s14], [sflag:$0x1] =	stream.indirect_vreg.gather [hbm4b:s2+s3], $0x80, v4, vm0, $0xb8;
	[tilespmem:$0x1EA00] =	vst v63  }
0x8c: {  	s14 =	simm.s32 $0x9200  }
0x8d: {  	[tilespmem:s14], [sflag:$0x1] =	stream.indirect_vreg.gather [hbm4b:s6+s3], $0x80, v4, vm0, $0xb8;
	[tilespmem:$0x1EA00] =	vst v63  }
0x8e: {  	_ = 	snop  }
0x8f: {  	[tilespmem:s10], [sflag:$0x1] =	stream.indirect_vreg.gather [hbm4b:s2+s3], $0x80, v3, vm0, $0xb8;
	[tilespmem:$0x1EA00] =	vst v63  }
0x90: {  	s14 =	simm.s32 $0xA200  }
0x91: {  	[tilespmem:s14], [sflag:$0x1] =	stream.indirect_vreg.gather [hbm4b:s6+s3], $0x80, v3, vm0, $0xb8;
	[tilespmem:$0x1EA00] =	vst v63  }
0x92: {  	s14 =	simm.s32 @!p1 $0x2  }
0x93: {  	_ =	swait.ge @!p1 [sflag:s14], $0xA000  }
0x94: {  	[sflag:s14] =	ssyncset.done @!p1 $0x0  }
0x95: {  	[sflag:s14] =	ssyncadd.s32 @!p1 $0xFFFF6000  }
0x96: {  	v3 =	vld [tilespmem:s11+$0xFFFFFFE0];
	_ =	sdelay $0x4  }
0x97: {  	v54 =	vshll.u32 v3, $0x2  }
0x98: {  	v3 =	vand.u32 $0x7, v3;
	v4 =	vand.u32 $0xFFFFFFE0, v54  }
0x99: {  	v3 =	vor.u32 v3, v4  }
0x9a: {  	v4 =	vperm.xlane v3, v0;
	_ =	sdelay $0x1  }
0x9b: {  	v4 =	vadd.s32 v1, v4;
	_ =	sdelay $0x1  }
0x9c: {  	v3 =	vperm.xlane v3, v2;
	_ =	sdelay $0x1  }
0x9d: {  	v3 =	vadd.s32 v1, v3  }
0x9e: {  	[tilespmem:s5], [sflag:$0x2] =	stream.indirect_vreg.gather [hbm4b:s2+s3], $0x80, v4, vm0, $0xb8;
	[tilespmem:$0x1EA00] =	vst v63  }
0x9f: {  	_ = 	snop  }
0xa0: {  	[tilespmem:s29], [sflag:$0x2] =	stream.indirect_vreg.gather [hbm4b:s6+s3], $0x80, v4, vm0, $0xb8;
	[tilespmem:$0x1EA00] =	vst v63  }
0xa1: {  	_ = 	snop  }
0xa2: {  	[tilespmem:s26], [sflag:$0x2] =	stream.indirect_vreg.gather [hbm4b:s2+s3], $0x80, v3, vm0, $0xb8;
	[tilespmem:$0x1EA00] =	vst v63  }
0xa3: {  	s14 =	simm.s32 $0xC200  }
0xa4: {  	[tilespmem:s14], [sflag:$0x2] =	stream.indirect_vreg.gather [hbm4b:s6+s3], $0x80, v3, vm0, $0xb8;
	[tilespmem:$0x1EA00] =	vst v63  }
0xa5: {  	v3 =	vld [tilespmem:s11+$0xFFFFFFF0];
	_ =	sdelay $0x4  }
0xa6: {  	v55 =	vshll.u32 v3, $0x2  }
0xa7: {  	v3 =	vand.u32 $0x7, v3;
	v4 =	vand.u32 $0xFFFFFFE0, v55  }
0xa8: {  	v3 =	vor.u32 v3, v4  }
0xa9: {  	v4 =	vperm.xlane v3, v0;
	_ =	sdelay $0x1  }
0xaa: {  	v4 =	vadd.s32 v1, v4;
	_ =	sdelay $0x1  }
0xab: {  	v3 =	vperm.xlane v3, v2;
	_ =	sdelay $0x1  }
0xac: {  	v3 =	vadd.s32 v1, v3  }
0xad: {  	[tilespmem:s24], [sflag:$0x2] =	stream.indirect_vreg.gather [hbm4b:s2+s3], $0x80, v4, vm0, $0xb8;
	[tilespmem:$0x1EA00] =	vst v63  }
0xae: {  	_ = 	snop  }
0xaf: {  	[tilespmem:s23], [sflag:$0x2] =	stream.indirect_vreg.gather [hbm4b:s6+s3], $0x80, v4, vm0, $0xb8;
	[tilespmem:$0x1EA00] =	vst v63  }
0xb0: {  	_ = 	snop  }
0xb1: {  	[tilespmem:s22], [sflag:$0x2] =	stream.indirect_vreg.gather [hbm4b:s2+s3], $0x80, v3, vm0, $0xb8;
	[tilespmem:$0x1EA00] =	vst v63  }
0xb2: {  	_ = 	snop  }
0xb3: {  	[tilespmem:s21], [sflag:$0x2] =	stream.indirect_vreg.gather [hbm4b:s6+s3], $0x80, v3, vm0, $0xb8;
	[tilespmem:$0x1EA00] =	vst v63  }
0xb4: {  	v3 =	vld [tilespmem:s11+$0x0];
	_ =	sdelay $0x4  }
0xb5: {  	v56 =	vshll.u32 v3, $0x2  }
0xb6: {  	v3 =	vand.u32 $0x7, v3;
	v4 =	vand.u32 $0xFFFFFFE0, v56  }
0xb7: {  	v3 =	vor.u32 v3, v4  }
0xb8: {  	v4 =	vperm.xlane v3, v0;
	_ =	sdelay $0x1  }
0xb9: {  	v4 =	vadd.s32 v1, v4;
	_ =	sdelay $0x1  }
0xba: {  	v3 =	vperm.xlane v3, v2;
	_ =	sdelay $0x1  }
0xbb: {  	s14 =	simm.s32 $0xEA00;
	v3 =	vadd.s32 v1, v3  }
0xbc: {  	[tilespmem:s14], [sflag:$0x2] =	stream.indirect_vreg.gather [hbm4b:s2+s3], $0x80, v4, vm0, $0xb8;
	[tilespmem:$0x1EA00] =	vst v63  }
0xbd: {  	s14 =	simm.s32 $0xF200  }
0xbe: {  	[tilespmem:s14], [sflag:$0x2] =	stream.indirect_vreg.gather [hbm4b:s6+s3], $0x80, v4, vm0, $0xb8;
	[tilespmem:$0x1EA00] =	vst v63  }
0xbf: {  	s14 =	simm.s32 $0xFA00  }
0xc0: {  	[tilespmem:s14], [sflag:$0x2] =	stream.indirect_vreg.gather [hbm4b:s2+s3], $0x80, v3, vm0, $0xb8;
	[tilespmem:$0x1EA00] =	vst v63  }
0xc1: {  	s14 =	simm.s32 $0x10200  }
0xc2: {  	[tilespmem:s14], [sflag:$0x2] =	stream.indirect_vreg.gather [hbm4b:s6+s3], $0x80, v3, vm0, $0xb8;
	[tilespmem:$0x1EA00] =	vst v63  }
0xc3: {  	v3 =	vld [tilespmem:s11+$0x10];
	_ =	sdelay $0x4  }
0xc4: {  	v57 =	vshll.u32 v3, $0x2  }
0xc5: {  	v3 =	vand.u32 $0x7, v3;
	v4 =	vand.u32 $0xFFFFFFE0, v57  }
0xc6: {  	v3 =	vor.u32 v3, v4  }
0xc7: {  	v4 =	vperm.xlane v3, v0;
	_ =	sdelay $0x1  }
0xc8: {  	v4 =	vadd.s32 v1, v4;
	_ =	sdelay $0x1  }
0xc9: {  	v3 =	vperm.xlane v3, v2;
	_ =	sdelay $0x1  }
0xca: {  	s14 =	simm.s32 $0x10A00;
	v3 =	vadd.s32 v1, v3  }
0xcb: {  	[tilespmem:s14], [sflag:$0x2] =	stream.indirect_vreg.gather [hbm4b:s2+s3], $0x80, v4, vm0, $0xb8;
	[tilespmem:$0x1EA00] =	vst v63  }
0xcc: {  	_ = 	snop  }
0xcd: {  	[tilespmem:s25], [sflag:$0x2] =	stream.indirect_vreg.gather [hbm4b:s6+s3], $0x80, v4, vm0, $0xb8;
	[tilespmem:$0x1EA00] =	vst v63  }
0xce: {  	_ = 	snop  }
0xcf: {  	[tilespmem:s15], [sflag:$0x2] =	stream.indirect_vreg.gather [hbm4b:s2+s3], $0x80, v3, vm0, $0xb8;
	[tilespmem:$0x1EA00] =	vst v63  }
0xd0: {  	_ = 	snop  }
0xd1: {  	[tilespmem:s20], [sflag:$0x2] =	stream.indirect_vreg.gather [hbm4b:s6+s3], $0x80, v3, vm0, $0xb8;
	[tilespmem:$0x1EA00] =	vst v63  }
0xd2: {  	v3 =	vld [tilespmem:s11+$0x20];
	_ =	sdelay $0x4  }
0xd3: {  	v58 =	vshll.u32 v3, $0x2  }
0xd4: {  	v3 =	vand.u32 $0x7, v3;
	v4 =	vand.u32 $0xFFFFFFE0, v58  }
0xd5: {  	v3 =	vor.u32 v3, v4  }
0xd6: {  	v4 =	vperm.xlane v3, v0;
	_ =	sdelay $0x1  }
0xd7: {  	v4 =	vadd.s32 v1, v4;
	_ =	sdelay $0x1  }
0xd8: {  	v3 =	vperm.xlane v3, v2;
	_ =	sdelay $0x1  }
0xd9: {  	v3 =	vadd.s32 v1, v3  }
0xda: {  	[tilespmem:s19], [sflag:$0x2] =	stream.indirect_vreg.gather [hbm4b:s2+s3], $0x80, v4, vm0, $0xb8;
	[tilespmem:$0x1EA00] =	vst v63  }
0xdb: {  	_ = 	snop  }
0xdc: {  	[tilespmem:s17], [sflag:$0x2] =	stream.indirect_vreg.gather [hbm4b:s6+s3], $0x80, v4, vm0, $0xb8;
	[tilespmem:$0x1EA00] =	vst v63  }
0xdd: {  	_ = 	snop  }
0xde: {  	[tilespmem:s28], [sflag:$0x2] =	stream.indirect_vreg.gather [hbm4b:s2+s3], $0x80, v3, vm0, $0xb8;
	[tilespmem:$0x1EA00] =	vst v63  }
0xdf: {  	s14 =	simm.s32 @!p1 $0x3  }
0xe0: {  	[tilespmem:s18], [sflag:$0x2] =	stream.indirect_vreg.gather [hbm4b:s6+s3], $0x80, v3, vm0, $0xb8;
	[tilespmem:$0x1EA00] =	vst v63  }
0xe1: {  	_ =	swait.ge @!p1 [sflag:s14], $0xA000  }
0xe2: {  	[sflag:s14] =	ssyncset.done @!p1 $0x0  }
0xe3: {  	[sflag:s14] =	ssyncadd.s32 @!p1 $0xFFFF6000  }
0xe4: {  	v3 =	vld [tilespmem:s11+$0x30];
	_ =	sdelay $0x4  }
0xe5: {  	v59 =	vshll.u32 v3, $0x2  }
0xe6: {  	v3 =	vand.u32 $0x7, v3;
	v4 =	vand.u32 $0xFFFFFFE0, v59  }
0xe7: {  	v3 =	vor.u32 v3, v4  }
0xe8: {  	v4 =	vperm.xlane v3, v0;
	_ =	sdelay $0x1  }
0xe9: {  	v4 =	vadd.s32 v1, v4;
	_ =	sdelay $0x1  }
0xea: {  	v3 =	vperm.xlane v3, v2;
	_ =	sdelay $0x1  }
0xeb: {  	v3 =	vadd.s32 v1, v3  }
0xec: {  	[tilespmem:s30], [sflag:$0x3] =	stream.indirect_vreg.gather [hbm4b:s2+s3], $0x80, v4, vm0, $0xb8;
	[tilespmem:$0x1EA00] =	vst v63  }
0xed: {  	s14 =	rddreg [dreg:$0x5]  }
0xee: {  	[tilespmem:s14], [sflag:$0x3] =	stream.indirect_vreg.gather [hbm4b:s6+s3], $0x80, v4, vm0, $0xb8;
	[tilespmem:$0x1EA00] =	vst v63  }
0xef: {  	s4 =	rddreg [dreg:$0x6]  }
0xf0: {  	[tilespmem:s4], [sflag:$0x3] =	stream.indirect_vreg.gather [hbm4b:s2+s3], $0x80, v3, vm0, $0xb8;
	[tilespmem:$0x1EA00] =	vst v63  }
0xf1: {  	s14 =	rddreg [dreg:$0x7]  }
0xf2: {  	[tilespmem:s14], [sflag:$0x3] =	stream.indirect_vreg.gather [hbm4b:s6+s3], $0x80, v3, vm0, $0xb8;
	[tilespmem:$0x1EA00] =	vst v63  }
0xf3: {  	v3 =	vld [tilespmem:s11+$0x40];
	_ =	sdelay $0x4  }
0xf4: {  	v60 =	vshll.u32 v3, $0x2  }
0xf5: {  	v3 =	vand.u32 $0x7, v3;
	v4 =	vand.u32 $0xFFFFFFE0, v60  }
0xf6: {  	v3 =	vor.u32 v3, v4  }
0xf7: {  	v4 =	vperm.xlane v3, v0;
	_ =	sdelay $0x1  }
0xf8: {  	v4 =	vadd.s32 v1, v4;
	_ =	sdelay $0x1  }
0xf9: {  	v3 =	vperm.xlane v3, v2;
	_ =	sdelay $0x1  }
0xfa: {  	s4 =	rddreg [dreg:$0x8];
	v3 =	vadd.s32 v1, v3  }
0xfb: {  	[tilespmem:s4], [sflag:$0x3] =	stream.indirect_vreg.gather [hbm4b:s2+s3], $0x80, v4, vm0, $0xb8;
	[tilespmem:$0x1EA00] =	vst v63  }
0xfc: {  	s14 =	rddreg [dreg:$0x9]  }
0xfd: {  	[tilespmem:s14], [sflag:$0x3] =	stream.indirect_vreg.gather [hbm4b:s6+s3], $0x80, v4, vm0, $0xb8;
	[tilespmem:$0x1EA00] =	vst v63  }
0xfe: {  	s4 =	rddreg [dreg:$0xa]  }
0xff: {  	[tilespmem:s4], [sflag:$0x3] =	stream.indirect_vreg.gather [hbm4b:s2+s3], $0x80, v3, vm0, $0xb8;
	[tilespmem:$0x1EA00] =	vst v63  }
0x100: {  	s14 =	rddreg [dreg:$0xb]  }
0x101: {  	[tilespmem:s14], [sflag:$0x3] =	stream.indirect_vreg.gather [hbm4b:s6+s3], $0x80, v3, vm0, $0xb8;
	[tilespmem:$0x1EA00] =	vst v63  }
0x102: {  	v3 =	vld [tilespmem:s11+$0x50];
	_ =	sdelay $0x4  }
0x103: {  	v61 =	vshll.u32 v3, $0x2  }
0x104: {  	v3 =	vand.u32 $0x7, v3;
	v4 =	vand.u32 $0xFFFFFFE0, v61  }
0x105: {  	v3 =	vor.u32 v3, v4  }
0x106: {  	v4 =	vperm.xlane v3, v0;
	_ =	sdelay $0x1  }
0x107: {  	v4 =	vadd.s32 v1, v4;
	_ =	sdelay $0x1  }
0x108: {  	v3 =	vperm.xlane v3, v2;
	_ =	sdelay $0x1  }
0x109: {  	s4 =	rddreg [dreg:$0xc];
	v3 =	vadd.s32 v1, v3  }
0x10a: {  	[tilespmem:s4], [sflag:$0x3] =	stream.indirect_vreg.gather [hbm4b:s2+s3], $0x80, v4, vm0, $0xb8;
	[tilespmem:$0x1EA00] =	vst v63  }
0x10b: {  	s14 =	rddreg [dreg:$0xd]  }
0x10c: {  	[tilespmem:s14], [sflag:$0x3] =	stream.indirect_vreg.gather [hbm4b:s6+s3], $0x80, v4, vm0, $0xb8;
	[tilespmem:$0x1EA00] =	vst v63  }
0x10d: {  	s4 =	rddreg [dreg:$0xe]  }
0x10e: {  	[tilespmem:s4], [sflag:$0x3] =	stream.indirect_vreg.gather [hbm4b:s2+s3], $0x80, v3, vm0, $0xb8;
	[tilespmem:$0x1EA00] =	vst v63  }
0x10f: {  	s14 =	rddreg [dreg:$0xf]  }
0x110: {  	[tilespmem:s14], [sflag:$0x3] =	stream.indirect_vreg.gather [hbm4b:s6+s3], $0x80, v3, vm0, $0xb8;
	[tilespmem:$0x1EA00] =	vst v63  }
0x111: {  	v3 =	vld [tilespmem:s11+$0x60];
	_ =	sdelay $0x4  }
0x112: {  	v62 =	vshll.u32 v3, $0x2  }
0x113: {  	v3 =	vand.u32 $0x7, v3;
	v4 =	vand.u32 $0xFFFFFFE0, v62  }
0x114: {  	v3 =	vor.u32 v3, v4  }
0x115: {  	v4 =	vperm.xlane v3, v0;
	_ =	sdelay $0x1  }
0x116: {  	v4 =	vadd.s32 v1, v4;
	_ =	sdelay $0x1  }
0x117: {  	v3 =	vperm.xlane v3, v2;
	_ =	sdelay $0x1  }
0x118: {  	s4 =	rddreg [dreg:$0x10];
	v3 =	vadd.s32 v1, v3  }
0x119: {  	[tilespmem:s4], [sflag:$0x3] =	stream.indirect_vreg.gather [hbm4b:s2+s3], $0x80, v4, vm0, $0xb8;
	[tilespmem:$0x1EA00] =	vst v63  }
0x11a: {  	s14 =	rddreg [dreg:$0x11]  }
0x11b: {  	[tilespmem:s14], [sflag:$0x3] =	stream.indirect_vreg.gather [hbm4b:s6+s3], $0x80, v4, vm0, $0xb8;
	[tilespmem:$0x1EA00] =	vst v63  }
0x11c: {  	s4 =	rddreg [dreg:$0x12]  }
0x11d: {  	[tilespmem:s4], [sflag:$0x3] =	stream.indirect_vreg.gather [hbm4b:s2+s3], $0x80, v3, vm0, $0xb8;
	[tilespmem:$0x1EA00] =	vst v63  }
0x11e: {  	s14 =	rddreg [dreg:$0x13]  }
0x11f: {  	[tilespmem:s14], [sflag:$0x3] =	stream.indirect_vreg.gather [hbm4b:s6+s3], $0x80, v3, vm0, $0xb8;
	[tilespmem:$0x1EA00] =	vst v63  }
0x120: {  	v3 =	vld [tilespmem:s11+$0x70];
	_ =	sdelay $0x4  }
0x121: {  	v63 =	vshll.u32 v3, $0x2  }
0x122: {  	v3 =	vand.u32 $0x7, v3;
	v4 =	vand.u32 $0xFFFFFFE0, v63  }
0x123: {  	v3 =	vor.u32 v3, v4  }
0x124: {  	v4 =	vperm.xlane v3, v0;
	_ =	sdelay $0x1  }
0x125: {  	v4 =	vadd.s32 v1, v4;
	_ =	sdelay $0x1  }
0x126: {  	v3 =	vperm.xlane v3, v2;
	_ =	sdelay $0x1  }
0x127: {  	s4 =	rddreg [dreg:$0x14];
	v3 =	vadd.s32 v1, v3  }
0x128: {  	[tilespmem:s4], [sflag:$0x3] =	stream.indirect_vreg.gather [hbm4b:s2+s3], $0x80, v4, vm0, $0xb8;
	[tilespmem:$0x1EA00] =	vst v63  }
0x129: {  	s14 =	rddreg [dreg:$0x15]  }
0x12a: {  	[tilespmem:s14], [sflag:$0x3] =	stream.indirect_vreg.gather [hbm4b:s6+s3], $0x80, v4, vm0, $0xb8;
	[tilespmem:$0x1EA00] =	vst v63  }
0x12b: {  	_ = 	snop  }
0x12c: {  	[tilespmem:s7], [sflag:$0x3] =	stream.indirect_vreg.gather [hbm4b:s2+s3], $0x80, v3, vm0, $0xb8;
	[tilespmem:$0x1EA00] =	vst v63  }
0x12d: {  	s14 =	rddreg [dreg:$0x16]  }
0x12e: {  	[tilespmem:s14], [sflag:$0x3] =	stream.indirect_vreg.gather [hbm4b:s6+s3], $0x80, v3, vm0, $0xb8;
	[tilespmem:$0x1EA00] =	vst v63  }
0x12f: {  	_ =	swait.ge [sflag:s31], $0xA000  }
0x130: {  	s14 =	rddreg [dreg:$0x4];
	[sflag:s31] =	ssyncset.done $0x0  }
0x131: {  	[sflag:s31] =	ssyncadd.s32 $0xFFFF6000;
	s4 =	sadd.s32 s13, s14  }
0x132: {  	[hbm4b:s4+s3] =	stream.linear.scatter [tilespmem:s16], [sflag:$0x1], $0x9000, $0x38;
	[tilespmem:$0x1EA00] =	vst v63  }
0x133: {  	_ = 	snop  }
0x134: {  	[hbm4b:s0+s3] =	stream.linear.scatter [tilespmem:s10], [sflag:$0x1], $0x1000, $0x38;
	[tilespmem:$0x1EA00] =	vst v63  }
0x135: {  	_ =	swait.ge [sflag:s8], $0xA000  }
0x136: {  	[sflag:s8] =	ssyncset.done $0x0  }
0x137: {  	s14 =	sadd.s32 $0x1400, s4;
	[sflag:s8] =	ssyncadd.s32 $0xFFFF6000  }
0x138: {  	[hbm4b:s14+s3] =	stream.linear.scatter [tilespmem:s5], [sflag:$0x2], $0x9000, $0x38;
	[tilespmem:$0x1EA00] =	vst v63  }
0x139: {  	_ = 	snop  }
0x13a: {  	[hbm4b:s9+s3] =	stream.linear.scatter [tilespmem:s28], [sflag:$0x2], $0x1000, $0x38;
	[tilespmem:$0x1EA00] =	vst v63  }
0x13b: {  	s13 =	sadd.s32 $0x3C00, s13;
	_ =	swait.ge [sflag:s1], $0xA000  }
0x13c: {  	p1 =	sne.s32 s13, $0x25800;
	[sflag:s1] =	ssyncset.done $0x0  }
.Ltmp2:
0x13d: {  	s4 =	sadd.s32 $0x2800, s4;
	[sflag:s1] =	ssyncadd.s32 $0xFFFF6000;
	(pc) =	sbr.rel @p1 .LBB2_2-.Ltmp2, $4  }
0x13e: {  	[hbm4b:s4+s3] =	stream.linear.scatter [tilespmem:s30], [sflag:$0x3], $0x9000, $0x38;
	[tilespmem:$0x1EA00] =	vst v63  }
0x13f: {  	s11 =	sadd.s32 $0xF0, s11  }
0x140: {  	[hbm4b:s12+s3] =	stream.linear.scatter [tilespmem:s7], [sflag:$0x3], $0x1000, $0x38;
	[tilespmem:$0x1EA00] =	vst v63  }
0x141: {  	s0 =	sadd.s32 $0x600, s0;
	s9 =	sadd.s32 $0x600, s9;
	s12 =	sadd.s32 $0x600, s12  }
0x142: {  	_ =	swait.ge [sflag:s31], $0xA000  }
0x143: {  	[sflag:s31] =	ssyncset.done $0x0  }
0x144: {  	[sflag:s31] =	ssyncadd.s32 $0xFFFF6000  }
0x145: {  	v3 =	vld [tilespmem:$0x960];
	_ =	sdelay $0x4  }
0x146: {  	v4 =	vshll.u32 v3, $0x2  }
0x147: {  	v3 =	vand.u32 $0x7, v3;
	v4 =	vand.u32 $0xFFFFFFE0, v4  }
0x148: {  	v3 =	vor.u32 v3, v4  }
0x149: {  	v4 =	vperm.xlane v3, v0;
	_ =	sdelay $0x1  }
0x14a: {  	v4 =	vadd.s32 v1, v4;
	_ =	sdelay $0x1  }
0x14b: {  	v3 =	vperm.xlane v3, v2;
	_ =	sdelay $0x1  }
0x14c: {  	v3 =	vadd.s32 v1, v3  }
0x14d: {  	[tilespmem:s16], [sflag:$0x1] =	stream.indirect_vreg.gather [hbm4b:s2+s3], $0x80, v4, vm0, $0xb8;
	[tilespmem:$0x1EA00] =	vst v63  }
0x14e: {  	s0 =	simm.s32 $0x1200  }
0x14f: {  	[tilespmem:s0], [sflag:$0x1] =	stream.indirect_vreg.gather [hbm4b:s6+s3], $0x80, v4, vm0, $0xb8;
	[tilespmem:$0x1EA00] =	vst v63  }
0x150: {  	s25 =	simm.s32 $0x1A00  }
0x151: {  	[tilespmem:s25], [sflag:$0x1] =	stream.indirect_vreg.gather [hbm4b:s2+s3], $0x80, v3, vm0, $0xb8;
	[tilespmem:$0x1EA00] =	vst v63  }
0x152: {  	s26 =	simm.s32 $0x2200  }
0x153: {  	[tilespmem:s26], [sflag:$0x1] =	stream.indirect_vreg.gather [hbm4b:s6+s3], $0x80, v3, vm0, $0xb8;
	[tilespmem:$0x1EA00] =	vst v63  }
0x154: {  	v3 =	vld [tilespmem:$0x970];
	_ =	sdelay $0x4  }
0x155: {  	v60 =	vshll.u32 v3, $0x2  }
0x156: {  	v3 =	vand.u32 $0x7, v3;
	v4 =	vand.u32 $0xFFFFFFE0, v60  }
0x157: {  	v3 =	vor.u32 v3, v4  }
0x158: {  	v4 =	vperm.xlane v3, v0;
	_ =	sdelay $0x1  }
0x159: {  	v4 =	vadd.s32 v1, v4;
	_ =	sdelay $0x1  }
0x15a: {  	v3 =	vperm.xlane v3, v2;
	_ =	sdelay $0x1  }
0x15b: {  	s4 =	simm.s32 $0x2A00;
	v3 =	vadd.s32 v1, v3  }
0x15c: {  	[tilespmem:s4], [sflag:$0x1] =	stream.indirect_vreg.gather [hbm4b:s2+s3], $0x80, v4, vm0, $0xb8;
	[tilespmem:$0x1EA00] =	vst v63  }
0x15d: {  	s9 =	simm.s32 $0x3200  }
0x15e: {  	[tilespmem:s9], [sflag:$0x1] =	stream.indirect_vreg.gather [hbm4b:s6+s3], $0x80, v4, vm0, $0xb8;
	[tilespmem:$0x1EA00] =	vst v63  }
0x15f: {  	s11 =	simm.s32 $0x3A00  }
0x160: {  	[tilespmem:s11], [sflag:$0x1] =	stream.indirect_vreg.gather [hbm4b:s2+s3], $0x80, v3, vm0, $0xb8;
	[tilespmem:$0x1EA00] =	vst v63  }
0x161: {  	s12 =	simm.s32 $0x4200  }
0x162: {  	[tilespmem:s12], [sflag:$0x1] =	stream.indirect_vreg.gather [hbm4b:s6+s3], $0x80, v3, vm0, $0xb8;
	[tilespmem:$0x1EA00] =	vst v63  }
0x163: {  	v3 =	vld [tilespmem:$0x980];
	_ =	sdelay $0x4  }
0x164: {  	v61 =	vshll.u32 v3, $0x2  }
0x165: {  	v3 =	vand.u32 $0x7, v3;
	v4 =	vand.u32 $0xFFFFFFE0, v61  }
0x166: {  	v3 =	vor.u32 v3, v4  }
0x167: {  	v4 =	vperm.xlane v3, v0;
	_ =	sdelay $0x1  }
0x168: {  	v4 =	vadd.s32 v1, v4;
	_ =	sdelay $0x1  }
0x169: {  	v3 =	vperm.xlane v3, v2;
	_ =	sdelay $0x1  }
0x16a: {  	s13 =	simm.s32 $0x4A00;
	v3 =	vadd.s32 v1, v3  }
0x16b: {  	[tilespmem:s13], [sflag:$0x1] =	stream.indirect_vreg.gather [hbm4b:s2+s3], $0x80, v4, vm0, $0xb8;
	[tilespmem:$0x1EA00] =	vst v63  }
0x16c: {  	s14 =	simm.s32 $0x5200  }
0x16d: {  	[tilespmem:s14], [sflag:$0x1] =	stream.indirect_vreg.gather [hbm4b:s6+s3], $0x80, v4, vm0, $0xb8;
	[tilespmem:$0x1EA00] =	vst v63  }
0x16e: {  	s15 =	simm.s32 $0x5A00  }
0x16f: {  	[tilespmem:s15], [sflag:$0x1] =	stream.indirect_vreg.gather [hbm4b:s2+s3], $0x80, v3, vm0, $0xb8;
	[tilespmem:$0x1EA00] =	vst v63  }
0x170: {  	s17 =	simm.s32 $0x6200  }
0x171: {  	[tilespmem:s17], [sflag:$0x1] =	stream.indirect_vreg.gather [hbm4b:s6+s3], $0x80, v3, vm0, $0xb8;
	[tilespmem:$0x1EA00] =	vst v63  }
0x172: {  	v3 =	vld [tilespmem:$0x990];
	_ =	sdelay $0x4  }
0x173: {  	v62 =	vshll.u32 v3, $0x2  }
0x174: {  	v3 =	vand.u32 $0x7, v3;
	v4 =	vand.u32 $0xFFFFFFE0, v62  }
0x175: {  	v3 =	vor.u32 v3, v4  }
0x176: {  	v4 =	vperm.xlane v3, v0;
	_ =	sdelay $0x1  }
0x177: {  	v4 =	vadd.s32 v1, v4;
	_ =	sdelay $0x1  }
0x178: {  	v3 =	vperm.xlane v3, v2;
	_ =	sdelay $0x1  }
0x179: {  	s18 =	simm.s32 $0x6A00;
	v3 =	vadd.s32 v1, v3  }
0x17a: {  	[tilespmem:s18], [sflag:$0x1] =	stream.indirect_vreg.gather [hbm4b:s2+s3], $0x80, v4, vm0, $0xb8;
	[tilespmem:$0x1EA00] =	vst v63  }
0x17b: {  	s19 =	simm.s32 $0x7200  }
0x17c: {  	[tilespmem:s19], [sflag:$0x1] =	stream.indirect_vreg.gather [hbm4b:s6+s3], $0x80, v4, vm0, $0xb8;
	[tilespmem:$0x1EA00] =	vst v63  }
0x17d: {  	s20 =	simm.s32 $0x7A00  }
0x17e: {  	[tilespmem:s20], [sflag:$0x1] =	stream.indirect_vreg.gather [hbm4b:s2+s3], $0x80, v3, vm0, $0xb8;
	[tilespmem:$0x1EA00] =	vst v63  }
0x17f: {  	s21 =	simm.s32 $0x8200  }
0x180: {  	[tilespmem:s21], [sflag:$0x1] =	stream.indirect_vreg.gather [hbm4b:s6+s3], $0x80, v3, vm0, $0xb8;
	[tilespmem:$0x1EA00] =	vst v63  }
0x181: {  	v3 =	vld [tilespmem:$0x9A0];
	_ =	sdelay $0x4  }
0x182: {  	v63 =	vshll.u32 v3, $0x2  }
0x183: {  	v3 =	vand.u32 $0x7, v3;
	v4 =	vand.u32 $0xFFFFFFE0, v63  }
0x184: {  	v3 =	vor.u32 v3, v4  }
0x185: {  	v4 =	vperm.xlane v3, v0;
	_ =	sdelay $0x1  }
0x186: {  	v4 =	vadd.s32 v1, v4;
	_ =	sdelay $0x1  }
0x187: {  	v3 =	vperm.xlane v3, v2  }
0x188: {  	s22 =	simm.s32 $0x8A00  }
0x189: {  	s23 =	simm.s32 $0x9200;
	s24 =	simm.s32 $0xA200;
	s0 =	simm.s32 $0xB200;
	v3 =	vadd.s32 v1, v3  }
0x18a: {  	[tilespmem:s22], [sflag:$0x1] =	stream.indirect_vreg.gather [hbm4b:s2+s3], $0x80, v4, vm0, $0xb8;
	[tilespmem:$0x1EA00] =	vst v63  }
0x18b: {  	s4 =	simm.s32 $0xBA00;
	s9 =	simm.s32 $0xC200;
	s11 =	simm.s32 $0xCA00  }
0x18c: {  	[tilespmem:s23], [sflag:$0x1] =	stream.indirect_vreg.gather [hbm4b:s6+s3], $0x80, v4, vm0, $0xb8;
	[tilespmem:$0x1EA00] =	vst v63  }
0x18d: {  	s12 =	simm.s32 $0xD200;
	s13 =	simm.s32 $0xDA00;
	s14 =	simm.s32 $0xE200  }
0x18e: {  	[tilespmem:s10], [sflag:$0x1] =	stream.indirect_vreg.gather [hbm4b:s2+s3], $0x80, v3, vm0, $0xb8;
	[tilespmem:$0x1EA00] =	vst v63  }
0x18f: {  	s15 =	simm.s32 $0xEA00;
	s17 =	simm.s32 $0xF200;
	s18 =	simm.s32 $0xFA00  }
0x190: {  	[tilespmem:s24], [sflag:$0x1] =	stream.indirect_vreg.gather [hbm4b:s6+s3], $0x80, v3, vm0, $0xb8;
	[tilespmem:$0x1EA00] =	vst v63  }
0x191: {  	s19 =	simm.s32 $0x10200;
	s20 =	simm.s32 $0x10A00;
	_ =	swait.ge [sflag:s31], $0xA000  }
0x192: {  	s21 =	simm.s32 $0x11200;
	s22 =	simm.s32 $0x11A00;
	[sflag:s31] =	ssyncset.done $0x0  }
.Ltmp3:
0x193: {  	s25 =	rddreg [dreg:$0x19];
	[sflag:s31] =	ssyncadd.s32 $0xFFFF6000;
	(pc) =	sbr.rel @p0 .LBB2_5-.Ltmp3, $4  }
0x194: {  	[hbm4b:s25+s3] =	stream.linear.scatter [tilespmem:s16], [sflag:$0x1], $0x9000, $0x38;
	[tilespmem:$0x1EA00] =	vst v63  }
0x195: {  	s23 =	simm.s32 $0x12200;
	s24 =	simm.s32 $0x12A00;
	s26 =	rddreg [dreg:$0x1a]  }
0x196: {  	[hbm4b:s26+s3] =	stream.linear.scatter [tilespmem:s10], [sflag:$0x1], $0x1000, $0x38;
	[tilespmem:$0x1EA00] =	vst v63  }
0x197: {  	s29 =	sld [smem:$0x7FC];
	s25 =	simm.s32 $0x13200;
	s26 =	simm.s32 $0x14200  }
0x198: {  	_ =	swait.ge [sflag:s8], $0xA000  }
0x199: {  	[sflag:s8] =	ssyncset.done $0x0  }
0x19a: {  	[sflag:s8] =	ssyncadd.s32 $0xFFFF6000  }
0x19b: {  	v3 =	vld [tilespmem:$0x9B0];
	_ =	sdelay $0x4  }
0x19c: {  	v4 =	vshll.u32 v3, $0x2  }
0x19d: {  	v3 =	vand.u32 $0x7, v3;
	v4 =	vand.u32 $0xFFFFFFE0, v4  }
0x19e: {  	v3 =	vor.u32 v3, v4  }
0x19f: {  	v4 =	vperm.xlane v3, v0;
	_ =	sdelay $0x1  }
0x1a0: {  	v4 =	vadd.s32 v1, v4;
	_ =	sdelay $0x1  }
0x1a1: {  	v3 =	vperm.xlane v3, v2;
	_ =	sdelay $0x1  }
0x1a2: {  	v3 =	vadd.s32 v1, v3  }
0x1a3: {  	[tilespmem:s5], [sflag:$0x2] =	stream.indirect_vreg.gather [hbm4b:s2+s3], $0x80, v4, vm0, $0xb8;
	[tilespmem:$0x1EA00] =	vst v63  }
0x1a4: {  	_ = 	snop  }
0x1a5: {  	[tilespmem:s0], [sflag:$0x2] =	stream.indirect_vreg.gather [hbm4b:s6+s3], $0x80, v4, vm0, $0xb8;
	[tilespmem:$0x1EA00] =	vst v63  }
0x1a6: {  	_ = 	snop  }
0x1a7: {  	[tilespmem:s4], [sflag:$0x2] =	stream.indirect_vreg.gather [hbm4b:s2+s3], $0x80, v3, vm0, $0xb8;
	[tilespmem:$0x1EA00] =	vst v63  }
0x1a8: {  	_ = 	snop  }
0x1a9: {  	[tilespmem:s9], [sflag:$0x2] =	stream.indirect_vreg.gather [hbm4b:s6+s3], $0x80, v3, vm0, $0xb8;
	[tilespmem:$0x1EA00] =	vst v63  }
0x1aa: {  	v3 =	vld [tilespmem:$0x9C0];
	_ =	sdelay $0x4  }
0x1ab: {  	v60 =	vshll.u32 v3, $0x2  }
0x1ac: {  	v3 =	vand.u32 $0x7, v3;
	v4 =	vand.u32 $0xFFFFFFE0, v60  }
0x1ad: {  	v3 =	vor.u32 v3, v4  }
0x1ae: {  	v4 =	vperm.xlane v3, v0;
	_ =	sdelay $0x1  }
0x1af: {  	v4 =	vadd.s32 v1, v4;
	_ =	sdelay $0x1  }
0x1b0: {  	v3 =	vperm.xlane v3, v2;
	_ =	sdelay $0x1  }
0x1b1: {  	v3 =	vadd.s32 v1, v3  }
0x1b2: {  	[tilespmem:s11], [sflag:$0x2] =	stream.indirect_vreg.gather [hbm4b:s2+s3], $0x80, v4, vm0, $0xb8;
	[tilespmem:$0x1EA00] =	vst v63  }
0x1b3: {  	_ = 	snop  }
0x1b4: {  	[tilespmem:s12], [sflag:$0x2] =	stream.indirect_vreg.gather [hbm4b:s6+s3], $0x80, v4, vm0, $0xb8;
	[tilespmem:$0x1EA00] =	vst v63  }
0x1b5: {  	_ = 	snop  }
0x1b6: {  	[tilespmem:s13], [sflag:$0x2] =	stream.indirect_vreg.gather [hbm4b:s2+s3], $0x80, v3, vm0, $0xb8;
	[tilespmem:$0x1EA00] =	vst v63  }
0x1b7: {  	_ = 	snop  }
0x1b8: {  	[tilespmem:s14], [sflag:$0x2] =	stream.indirect_vreg.gather [hbm4b:s6+s3], $0x80, v3, vm0, $0xb8;
	[tilespmem:$0x1EA00] =	vst v63  }
0x1b9: {  	v3 =	vld [tilespmem:$0x9D0];
	_ =	sdelay $0x4  }
0x1ba: {  	v61 =	vshll.u32 v3, $0x2  }
0x1bb: {  	v3 =	vand.u32 $0x7, v3;
	v4 =	vand.u32 $0xFFFFFFE0, v61  }
0x1bc: {  	v3 =	vor.u32 v3, v4  }
0x1bd: {  	v4 =	vperm.xlane v3, v0;
	_ =	sdelay $0x1  }
0x1be: {  	v4 =	vadd.s32 v1, v4;
	_ =	sdelay $0x1  }
0x1bf: {  	v3 =	vperm.xlane v3, v2;
	_ =	sdelay $0x1  }
0x1c0: {  	v3 =	vadd.s32 v1, v3  }
0x1c1: {  	[tilespmem:s15], [sflag:$0x2] =	stream.indirect_vreg.gather [hbm4b:s2+s3], $0x80, v4, vm0, $0xb8;
	[tilespmem:$0x1EA00] =	vst v63  }
0x1c2: {  	_ = 	snop  }
0x1c3: {  	[tilespmem:s17], [sflag:$0x2] =	stream.indirect_vreg.gather [hbm4b:s6+s3], $0x80, v4, vm0, $0xb8;
	[tilespmem:$0x1EA00] =	vst v63  }
0x1c4: {  	_ = 	snop  }
0x1c5: {  	[tilespmem:s18], [sflag:$0x2] =	stream.indirect_vreg.gather [hbm4b:s2+s3], $0x80, v3, vm0, $0xb8;
	[tilespmem:$0x1EA00] =	vst v63  }
0x1c6: {  	_ = 	snop  }
0x1c7: {  	[tilespmem:s19], [sflag:$0x2] =	stream.indirect_vreg.gather [hbm4b:s6+s3], $0x80, v3, vm0, $0xb8;
	[tilespmem:$0x1EA00] =	vst v63  }
0x1c8: {  	v3 =	vld [tilespmem:$0x9E0];
	_ =	sdelay $0x4  }
0x1c9: {  	v62 =	vshll.u32 v3, $0x2  }
0x1ca: {  	v3 =	vand.u32 $0x7, v3;
	v4 =	vand.u32 $0xFFFFFFE0, v62  }
0x1cb: {  	v3 =	vor.u32 v3, v4  }
0x1cc: {  	v4 =	vperm.xlane v3, v0;
	_ =	sdelay $0x1  }
0x1cd: {  	v4 =	vadd.s32 v1, v4;
	_ =	sdelay $0x1  }
0x1ce: {  	v3 =	vperm.xlane v3, v2;
	_ =	sdelay $0x1  }
0x1cf: {  	v3 =	vadd.s32 v1, v3  }
0x1d0: {  	[tilespmem:s20], [sflag:$0x2] =	stream.indirect_vreg.gather [hbm4b:s2+s3], $0x80, v4, vm0, $0xb8;
	[tilespmem:$0x1EA00] =	vst v63  }
0x1d1: {  	_ = 	snop  }
0x1d2: {  	[tilespmem:s21], [sflag:$0x2] =	stream.indirect_vreg.gather [hbm4b:s6+s3], $0x80, v4, vm0, $0xb8;
	[tilespmem:$0x1EA00] =	vst v63  }
0x1d3: {  	_ = 	snop  }
0x1d4: {  	[tilespmem:s22], [sflag:$0x2] =	stream.indirect_vreg.gather [hbm4b:s2+s3], $0x80, v3, vm0, $0xb8;
	[tilespmem:$0x1EA00] =	vst v63  }
0x1d5: {  	_ = 	snop  }
0x1d6: {  	[tilespmem:s23], [sflag:$0x2] =	stream.indirect_vreg.gather [hbm4b:s6+s3], $0x80, v3, vm0, $0xb8;
	[tilespmem:$0x1EA00] =	vst v63  }
0x1d7: {  	v3 =	vld [tilespmem:$0x9F0];
	_ =	sdelay $0x4  }
0x1d8: {  	v63 =	vshll.u32 v3, $0x2  }
0x1d9: {  	v3 =	vand.u32 $0x7, v3;
	v4 =	vand.u32 $0xFFFFFFE0, v63  }
0x1da: {  	v3 =	vor.u32 v3, v4  }
0x1db: {  	v4 =	vperm.xlane v3, v0;
	_ =	sdelay $0x1  }
0x1dc: {  	v4 =	vadd.s32 v1, v4;
	_ =	sdelay $0x1  }
0x1dd: {  	v3 =	vperm.xlane v3, v2;
	_ =	sdelay $0x1  }
0x1de: {  	v3 =	vadd.s32 v1, v3  }
0x1df: {  	[tilespmem:s24], [sflag:$0x2] =	stream.indirect_vreg.gather [hbm4b:s2+s3], $0x80, v4, vm0, $0xb8;
	[tilespmem:$0x1EA00] =	vst v63  }
0x1e0: {  	_ = 	snop  }
0x1e1: {  	[tilespmem:s25], [sflag:$0x2] =	stream.indirect_vreg.gather [hbm4b:s6+s3], $0x80, v4, vm0, $0xb8;
	[tilespmem:$0x1EA00] =	vst v63  }
0x1e2: {  	_ = 	snop  }
0x1e3: {  	[tilespmem:s28], [sflag:$0x2] =	stream.indirect_vreg.gather [hbm4b:s2+s3], $0x80, v3, vm0, $0xb8;
	[tilespmem:$0x1EA00] =	vst v63  }
0x1e4: {  	_ = 	snop  }
0x1e5: {  	[tilespmem:s26], [sflag:$0x2] =	stream.indirect_vreg.gather [hbm4b:s6+s3], $0x80, v3, vm0, $0xb8;
	[tilespmem:$0x1EA00] =	vst v63  }
0x1e6: {  	_ =	swait.ge [sflag:s8], $0xA000  }
.Ltmp4:
0x1e7: {  	[sflag:s8] =	ssyncset.done $0x0;
	(pc) =	sbr.rel .LBB2_5-.Ltmp4, $4  }
0x1e8: {  	s25 =	rddreg [dreg:$0x1b];
	[sflag:s8] =	ssyncadd.s32 $0xFFFF6000  }
0x1e9: {  	[hbm4b:s25+s3] =	stream.linear.scatter [tilespmem:s5], [sflag:$0x2], $0x9000, $0x38;
	[tilespmem:$0x1EA00] =	vst v63  }
0x1ea: {  	s26 =	rddreg [dreg:$0x1c]  }
0x1eb: {  	[hbm4b:s26+s3] =	stream.linear.scatter [tilespmem:s28], [sflag:$0x2], $0x1000, $0x38;
	[tilespmem:$0x1EA00] =	vst v63  }
.LBB2_6:
0x1ec: {  	_ =	sfence.sel $0x180000  }
0x1ed: {  	[bflag:$0x0] =	sbarrier.arrive $0xFFFF  }
0x1ee: {  	_ =	strace $0x90000047  }
0x1ef: {  	s0 =	stileid.u32;
	[bflag:$0x2] =	sbarrier.arrive $0xFFFF  }
0x1f0: {  	p0 =	sne.s32 s0, $0x0;
	s0 =	rddreg [dreg:$0x3]  }
0x1f1: {  	s0 =	sadd.s32 @!p0 $0x100000, s0  }
0x1f2: {  	[sflag:s0] =	ssyncadd.tile.s32 @!p0 $0x1;
	_ =	shalt  }
.Lfunc_end2:
_tile_overlayer_lowered:
.L_overlay_start_2:
0x1f3: {  	(tag) =	ssettag $0x2  }
0x1f4: {  	s0 =	rddreg [dreg:$0x0];
	s2 =	stileid.u32  }
0x1f5: {  	s1 =	rddreg [dreg:$0x1];
	p0 =	sne.s32 s2, $0x0  }
0x1f6: {  	s3 =	rddreg [dreg:$0x2];
	[bflag:$0x3] =	sbarrier.arrive $0xFFFF;
	s2 =	simm.s32 @!p0 $0x1C04  }
0x1f7: {  	[timem:s3], [sflag:s2] =	dma.local @!p0 [hbm:s0], s1  }
0x1f8: {  	s0 =	simm.s32 @!p0 $0x4  }
0x1f9: {  	_ =	swait.ge @!p0 [sflag:s0], s1  }
0x1fa: {  	s1 =	ssub.s32 @!p0 $0x0, s1;
	[sflag:s0] =	ssyncset.done @!p0 $0x0  }
0x1fb: {  	[sflag:s0] =	ssyncadd.s32 @!p0 s1  }
0x1fc: {  	[bflag:$0x3] =	sbarrier.arrive $0xFFFF  }
0x1fd: {  	_ =	shalt  }

</sc_bundles>
